<compile_context>
chip_gen: v7x
topology: tpu7x:2x2x1
jax: 0.10.2.dev20260603
libtpu: 0.0.44.dev20260713+nightly
codegen_flags: <defaults>
</compile_context>

<pallas_src>
import functools

import jax
import jax.numpy as jnp
from jax import lax
from jax.experimental import pallas as pl
from jax.experimental.pallas import tpu as pltpu
from jax.experimental.pallas import tpu_sc as plsc

_NC = 2
_NS = 16
_NW = _NC * _NS

_B = 16384
_D = 128
_CHUNK = 128
_HALF = _B // 2


def _gather_body(cpw, uidx_hbm, iidx_hbm, utab_hbm, itab_hbm, ue_out, ie_out,
                 idx_u, idx_i, buf_a, buf_b, gsem, ssem):
    wid = lax.axis_index("s") * _NC + lax.axis_index("c")
    base = wid * cpw
    pltpu.sync_copy(uidx_hbm.at[pl.ds(base, cpw)], idx_u)
    pltpu.sync_copy(iidx_hbm.at[pl.ds(base, cpw)], idx_i)
    half = cpw // 2
    gs = [pltpu.async_copy(utab_hbm.at[idx_u.at[j]], buf_a.at[j], gsem)
          for j in range(cpw)]
    for g in gs:
        g.wait()
    st_a = pltpu.async_copy(buf_a, ue_out.at[pl.ds(base, cpw)], ssem)
    gs = [pltpu.async_copy(itab_hbm.at[idx_i.at[j]], buf_b.at[j], gsem)
          for j in range(half)]
    for g in gs:
        g.wait()
    st_b = pltpu.async_copy(buf_b, ie_out.at[pl.ds(base, half)], ssem)
    st_a.wait()
    gs = [pltpu.async_copy(itab_hbm.at[idx_i.at[half + j]], buf_a.at[j], gsem)
          for j in range(half)]
    for g in gs:
        g.wait()
    st_c = pltpu.async_copy(buf_a.at[pl.ds(0, half)],
                            ie_out.at[pl.ds(base + half, half)], ssem)
    st_b.wait()
    st_c.wait()


def _sc_gather(uidx2d, iidx2d, user_table, item_table, nrows):
    cpw = nrows // _NW // _CHUNK
    mesh = plsc.VectorSubcoreMesh(core_axis_name="c", subcore_axis_name="s",
                                  num_cores=_NC, num_subcores=_NS)
    grab = pl.kernel(
        functools.partial(_gather_body, cpw),
        out_type=[
            jax.ShapeDtypeStruct((nrows // _CHUNK, _CHUNK, _D), jnp.float32),
            jax.ShapeDtypeStruct((nrows // _CHUNK, _CHUNK, _D), jnp.float32),
        ],
        mesh=mesh,
        scratch_types=[
            pltpu.VMEM((cpw, _CHUNK), jnp.int32),
            pltpu.VMEM((cpw, _CHUNK), jnp.int32),
            pltpu.VMEM((cpw, _CHUNK, _D), jnp.float32),
            pltpu.VMEM((cpw // 2, _CHUNK, _D), jnp.float32),
            pltpu.SemaphoreType.DMA,
            pltpu.SemaphoreType.DMA,
        ],
        name="ncf_sc_gather",
    )
    return grab(uidx2d, iidx2d, user_table, item_table)


def _dgT(w, xT):
    return lax.dot_general(w, xT, (((0,), (0,)), ((), ())),
                           preferred_element_type=jnp.float32)


def _mlp_body(ue_ref, ie_ref, w1a, w1b, b1, w2, b2, w3, b3, wo, bo, out_ref):
    ueT = ue_ref[...].T
    ieT = ie_ref[...].T
    h = jnp.maximum(_dgT(w1a[...], ueT) + _dgT(w1b[...], ieT) + b1[...], 0.0)
    h = jnp.maximum(_dgT(w2[...], h) + b2[...], 0.0)
    h = jnp.maximum(_dgT(w3[...], h) + b3[...], 0.0)
    out_ref[...] = _dgT(wo[...], h) + bo[...]


_BM = 8192


def _tc_mlp(ue, ie, w1a, w1b, b1, w2, b2, w3, b3, wo, bo, nrows):
    full = lambda shape: pl.BlockSpec(shape, lambda i: (0, 0))
    return pl.pallas_call(
        _mlp_body,
        grid=(nrows // _BM,),
        in_specs=[
            pl.BlockSpec((_BM, _D), lambda i: (i, 0)),
            pl.BlockSpec((_BM, _D), lambda i: (i, 0)),
            full((128, 128)), full((128, 128)), full((128, 1)),
            full((128, 64)), full((64, 1)),
            full((64, 32)), full((32, 1)),
            full((32, 1)), full((1, 1)),
        ],
        out_specs=pl.BlockSpec((1, _BM), lambda i: (0, i)),
        out_shape=jax.ShapeDtypeStruct((1, nrows), jnp.float32),
        compiler_params=pltpu.CompilerParams(
            dimension_semantics=("parallel",)),
        name="ncf_tc_mlp",
    )(ue, ie, w1a, w1b, b1, w2, b2, w3, b3, wo, bo)


def kernel(user_indices, item_indices, user_table, item_table,
           W1, b1, W2, b2, W3, b3, Wo, bo):
    uidx2d = user_indices.reshape(_B // _CHUNK, _CHUNK)
    iidx2d = item_indices.reshape(_B // _CHUNK, _CHUNK)
    weights = (W1[:_D], W1[_D:], b1.reshape(-1, 1),
               W2, b2.reshape(-1, 1),
               W3, b3.reshape(-1, 1),
               Wo, bo.reshape(1, 1))
    ue3d, ie3d = _sc_gather(uidx2d, iidx2d, user_table, item_table, _B)
    ue = ue3d.reshape(_B, _D)
    ie = ie3d.reshape(_B, _D)
    out = _tc_mlp(ue, ie, *weights, _B)
    return out.reshape(_B, 1)

# --- scband reference (transcript-rebuilt; emitter-appended) ---
"""Pipeline reference for scband-ncf-29746943492465 (READ-ONLY COPY).

The authoritative reference and input builder live on the scoring server;
editing this copy changes nothing except your own understanding.
"""

import jax, jax.numpy as jnp
import numpy as np

NUM_USERS = 100000
NUM_ITEMS = 100000
EMBED_DIM = 128
BATCH = 16384


def setup_inputs(seed: int = 0) -> dict:
    key = jax.random.key(seed)
    ks = jax.random.split(key, 16)
    user_indices = jax.random.randint(ks[0], (BATCH,), 0, NUM_USERS, dtype=jnp.int64 if jax.config.jax_enable_x64 else jnp.int32).astype(jnp.int32)
    item_indices = jax.random.randint(ks[1], (BATCH,), 0, NUM_ITEMS, dtype=jnp.int32)
    user_table = jax.random.normal(ks[2], (NUM_USERS, EMBED_DIM), dtype=jnp.float32)
    item_table = jax.random.normal(ks[3], (NUM_ITEMS, EMBED_DIM), dtype=jnp.float32)
    # MLP: num_layers=4 -> 3 hidden Linear layers: 256->128->64->32, then output 32->1
    def lin(k, din, dout):
        bound = 1.0 / np.sqrt(din)
        kw, kb = jax.random.split(k)
        W = jax.random.uniform(kw, (din, dout), minval=-bound, maxval=bound, dtype=jnp.float32)
        b = jax.random.uniform(kb, (dout,), minval=-bound, maxval=bound, dtype=jnp.float32)
        return W, b
    W1, b1 = lin(ks[4], 256, 128)
    W2, b2 = lin(ks[5], 128, 64)
    W3, b3 = lin(ks[6], 64, 32)
    Wo, bo = lin(ks[7], 32, 1)
    return {
        'user_indices': user_indices, 'item_indices': item_indices,
        'user_table': user_table, 'item_table': item_table,
        'W1': W1, 'b1': b1, 'W2': W2, 'b2': b2, 'W3': W3, 'b3': b3,
        'Wo': Wo, 'bo': bo,
    }


def reference(user_indices, item_indices, user_table, item_table, W1, b1, W2, b2, W3, b3, Wo, bo):
    ue = jnp.take(user_table, user_indices, axis=0)
    ie = jnp.take(item_table, item_indices, axis=0)
    x = jnp.concatenate([ue, ie], axis=-1)
    # Dropout is identity in eval/inference mode
    x = jax.nn.relu(x @ W1 + b1)
    x = jax.nn.relu(x @ W2 + b2)
    x = jax.nn.relu(x @ W3 + b3)
    x = x @ Wo + bo
    return x

if __name__ == "__main__":
    import jax
    _d = setup_inputs()
    print(jax.jit(kernel)(*tuple(_d.values())))

</pallas_src>

<mosaic_0001>
#map = affine_map<(d0, d1) -> (0, 0)>
#map1 = affine_map<(d0, d1) -> (0, 0, 0)>
module attributes {stable_mosaic.version = 14 : i64} {
  func.func @ncf_sc_gather(%arg0: i32, %arg1: i32, %arg2: memref<128x128xi32, #tpu.memory_space<hbm>>, %arg3: memref<128x128xi32, #tpu.memory_space<hbm>>, %arg4: memref<100000x128xf32, #tpu.memory_space<hbm>>, %arg5: memref<100000x128xf32, #tpu.memory_space<hbm>>, %arg6: memref<128x128x128xf32, #tpu.memory_space<hbm>>, %arg7: memref<128x128x128xf32, #tpu.memory_space<hbm>>, %arg8: memref<4x128xi32, #tpu.memory_space<vmem>>, %arg9: memref<4x128xi32, #tpu.memory_space<vmem>>, %arg10: memref<4x128x128xf32, #tpu.memory_space<vmem>>, %arg11: memref<2x128x128xf32, #tpu.memory_space<vmem>>, %arg12: memref<!tpu.dma_semaphore, #tpu.memory_space<semaphore_mem>>, %arg13: memref<!tpu.dma_semaphore, #tpu.memory_space<semaphore_mem>>) attributes {dimension_semantics = [#tpu.dimension_semantics<core_parallel>, #tpu.dimension_semantics<subcore_parallel>], iteration_bounds = array<i64: 2, 16>, scalar_prefetch = 0 : i64, scratch_operands = 6 : i64, tpu.core_type = #tpu.core_type<sc_vector_subcore>, window_params = [{transform_indices = #map}, {transform_indices = #map}, {transform_indices = #map}, {transform_indices = #map}, {transform_indices = #map1}, {transform_indices = #map1}]} {
    %mul3A = arith.constant 2 : i32
    %mul3A_0 = arith.muli %arg1, %mul3A : i32
    %add3A = arith.addi %mul3A_0, %arg0 : i32
    %mul3A_1 = arith.constant 4 : i32
    %mul3A_2 = arith.muli %add3A, %mul3A_1 : i32
    "tpu.region"() ({
      %run_scoped3A = tpu.sem_alloc : memref<!tpu.dma_semaphore, #tpu.memory_space<semaphore_mem>>
      %dma_start3A_247 = arith.constant 0 : i32
      %dma_start3A_248 = tpu.memref_slice %arg2[%mul3A_2, %dma_start3A_247] : memref<128x128xi32, #tpu.memory_space<hbm>> -> memref<4x128xi32, #tpu.memory_space<hbm>>
      %dma_start3A_249 = arith.constant 0 : i32
      %dma_start3A_250 = tpu.memref_slice %arg2[%mul3A_2, %dma_start3A_249] : memref<128x128xi32, #tpu.memory_space<hbm>> -> memref<4x128xi32, #tpu.memory_space<hbm>>
      tpu.enqueue_dma source(%dma_start3A_250 : memref<4x128xi32, #tpu.memory_space<hbm>>) target(%arg8 : memref<4x128xi32, #tpu.memory_space<vmem>>) target_semaphore(%run_scoped3A : memref<!tpu.dma_semaphore, #tpu.memory_space<semaphore_mem>>)
      %dma_wait3A_251 = arith.constant 0 : i32
      %dma_wait3A_252 = tpu.memref_slice %arg2[%mul3A_2, %dma_wait3A_251] : memref<128x128xi32, #tpu.memory_space<hbm>> -> memref<4x128xi32, #tpu.memory_space<hbm>>
      %dma_wait3A_253 = arith.constant 0 : i32
      %dma_wait3A_254 = tpu.memref_slice %arg2[%mul3A_2, %dma_wait3A_253] : memref<128x128xi32, #tpu.memory_space<hbm>> -> memref<4x128xi32, #tpu.memory_space<hbm>>
      tpu.wait_dma2 semaphore(%run_scoped3A : memref<!tpu.dma_semaphore, #tpu.memory_space<semaphore_mem>>) src(%dma_wait3A_254 : memref<4x128xi32, #tpu.memory_space<hbm>>) dst(%arg8 : memref<4x128xi32, #tpu.memory_space<vmem>>)
      tpu.yield
    }) : () -> ()
    "tpu.region"() ({
      %run_scoped3A = tpu.sem_alloc : memref<!tpu.dma_semaphore, #tpu.memory_space<semaphore_mem>>
      %dma_start3A_247 = arith.constant 0 : i32
      %dma_start3A_248 = tpu.memref_slice %arg3[%mul3A_2, %dma_start3A_247] : memref<128x128xi32, #tpu.memory_space<hbm>> -> memref<4x128xi32, #tpu.memory_space<hbm>>
      %dma_start3A_249 = arith.constant 0 : i32
      %dma_start3A_250 = tpu.memref_slice %arg3[%mul3A_2, %dma_start3A_249] : memref<128x128xi32, #tpu.memory_space<hbm>> -> memref<4x128xi32, #tpu.memory_space<hbm>>
      tpu.enqueue_dma source(%dma_start3A_250 : memref<4x128xi32, #tpu.memory_space<hbm>>) target(%arg9 : memref<4x128xi32, #tpu.memory_space<vmem>>) target_semaphore(%run_scoped3A : memref<!tpu.dma_semaphore, #tpu.memory_space<semaphore_mem>>)
      %dma_wait3A_251 = arith.constant 0 : i32
      %dma_wait3A_252 = tpu.memref_slice %arg3[%mul3A_2, %dma_wait3A_251] : memref<128x128xi32, #tpu.memory_space<hbm>> -> memref<4x128xi32, #tpu.memory_space<hbm>>
      %dma_wait3A_253 = arith.constant 0 : i32
      %dma_wait3A_254 = tpu.memref_slice %arg3[%mul3A_2, %dma_wait3A_253] : memref<128x128xi32, #tpu.memory_space<hbm>> -> memref<4x128xi32, #tpu.memory_space<hbm>>
      tpu.wait_dma2 semaphore(%run_scoped3A : memref<!tpu.dma_semaphore, #tpu.memory_space<semaphore_mem>>) src(%dma_wait3A_254 : memref<4x128xi32, #tpu.memory_space<hbm>>) dst(%arg9 : memref<4x128xi32, #tpu.memory_space<vmem>>)
      tpu.yield
    }) : () -> ()
    %dma_start3A = arith.constant 0 : i32
    %dma_start3A_3 = arith.constant 0 : i32
    %dma_start3A_4 = arith.constant 0 : i32
    %dma_start3A_5 = arith.constant 0 : i32
    %dma_start3A_6 = tpu.memref_slice %arg10[%dma_start3A_3, %dma_start3A_4, %dma_start3A_5] : memref<4x128x128xf32, #tpu.memory_space<vmem>> -> memref<1x128x128xf32, #tpu.memory_space<vmem>>
    %dma_start3A_7 = tpu.memref_squeeze %dma_start3A_6 : memref<1x128x128xf32, #tpu.memory_space<vmem>> -> memref<128x128xf32, #tpu.memory_space<vmem>>
    %dma_start3A_8 = arith.constant 0 : i32
    %dma_start3A_9 = tpu.memref_slice %arg8[%dma_start3A, %dma_start3A_8] : memref<4x128xi32, #tpu.memory_space<vmem>> -> memref<1x128xi32, #tpu.memory_space<vmem>>
    %dma_start3A_10 = tpu.memref_squeeze %dma_start3A_9 : memref<1x128xi32, #tpu.memory_space<vmem>> -> memref<128xi32, #tpu.memory_space<vmem>>
    %dma_start3A_11 = arith.constant 0 : i32
    %dma_start3A_12 = arith.constant 0 : i32
    %dma_start3A_13 = tpu.memref_slice %arg4[%dma_start3A_11, %dma_start3A_12] : memref<100000x128xf32, #tpu.memory_space<hbm>> -> memref<100000x128xf32, #tpu.memory_space<hbm>>
    tpu.enqueue_indirect_dma source(%dma_start3A_13 : memref<100000x128xf32, #tpu.memory_space<hbm>>) target(%dma_start3A_7 : memref<128x128xf32, #tpu.memory_space<vmem>>) offsets(%dma_start3A_10 : memref<128xi32, #tpu.memory_space<vmem>>) semaphore(%arg12 : memref<!tpu.dma_semaphore, #tpu.memory_space<semaphore_mem>>)
    %dma_start3A_14 = arith.constant 1 : i32
    %dma_start3A_15 = arith.constant 1 : i32
    %dma_start3A_16 = arith.constant 0 : i32
    %dma_start3A_17 = arith.constant 0 : i32
    %dma_start3A_18 = tpu.memref_slice %arg10[%dma_start3A_15, %dma_start3A_16, %dma_start3A_17] : memref<4x128x128xf32, #tpu.memory_space<vmem>> -> memref<1x128x128xf32, #tpu.memory_space<vmem>>
    %dma_start3A_19 = tpu.memref_squeeze %dma_start3A_18 : memref<1x128x128xf32, #tpu.memory_space<vmem>> -> memref<128x128xf32, #tpu.memory_space<vmem>>
    %dma_start3A_20 = arith.constant 0 : i32
    %dma_start3A_21 = tpu.memref_slice %arg8[%dma_start3A_14, %dma_start3A_20] : memref<4x128xi32, #tpu.memory_space<vmem>> -> memref<1x128xi32, #tpu.memory_space<vmem>>
    %dma_start3A_22 = tpu.memref_squeeze %dma_start3A_21 : memref<1x128xi32, #tpu.memory_space<vmem>> -> memref<128xi32, #tpu.memory_space<vmem>>
    %dma_start3A_23 = arith.constant 0 : i32
    %dma_start3A_24 = arith.constant 0 : i32
    %dma_start3A_25 = tpu.memref_slice %arg4[%dma_start3A_23, %dma_start3A_24] : memref<100000x128xf32, #tpu.memory_space<hbm>> -> memref<100000x128xf32, #tpu.memory_space<hbm>>
    tpu.enqueue_indirect_dma source(%dma_start3A_25 : memref<100000x128xf32, #tpu.memory_space<hbm>>) target(%dma_start3A_19 : memref<128x128xf32, #tpu.memory_space<vmem>>) offsets(%dma_start3A_22 : memref<128xi32, #tpu.memory_space<vmem>>) semaphore(%arg12 : memref<!tpu.dma_semaphore, #tpu.memory_space<semaphore_mem>>)
    %dma_start3A_26 = arith.constant 2 : i32
    %dma_start3A_27 = arith.constant 2 : i32
    %dma_start3A_28 = arith.constant 0 : i32
    %dma_start3A_29 = arith.constant 0 : i32
    %dma_start3A_30 = tpu.memref_slice %arg10[%dma_start3A_27, %dma_start3A_28, %dma_start3A_29] : memref<4x128x128xf32, #tpu.memory_space<vmem>> -> memref<1x128x128xf32, #tpu.memory_space<vmem>>
    %dma_start3A_31 = tpu.memref_squeeze %dma_start3A_30 : memref<1x128x128xf32, #tpu.memory_space<vmem>> -> memref<128x128xf32, #tpu.memory_space<vmem>>
    %dma_start3A_32 = arith.constant 0 : i32
    %dma_start3A_33 = tpu.memref_slice %arg8[%dma_start3A_26, %dma_start3A_32] : memref<4x128xi32, #tpu.memory_space<vmem>> -> memref<1x128xi32, #tpu.memory_space<vmem>>
    %dma_start3A_34 = tpu.memref_squeeze %dma_start3A_33 : memref<1x128xi32, #tpu.memory_space<vmem>> -> memref<128xi32, #tpu.memory_space<vmem>>
    %dma_start3A_35 = arith.constant 0 : i32
    %dma_start3A_36 = arith.constant 0 : i32
    %dma_start3A_37 = tpu.memref_slice %arg4[%dma_start3A_35, %dma_start3A_36] : memref<100000x128xf32, #tpu.memory_space<hbm>> -> memref<100000x128xf32, #tpu.memory_space<hbm>>
    tpu.enqueue_indirect_dma source(%dma_start3A_37 : memref<100000x128xf32, #tpu.memory_space<hbm>>) target(%dma_start3A_31 : memref<128x128xf32, #tpu.memory_space<vmem>>) offsets(%dma_start3A_34 : memref<128xi32, #tpu.memory_space<vmem>>) semaphore(%arg12 : memref<!tpu.dma_semaphore, #tpu.memory_space<semaphore_mem>>)
    %dma_start3A_38 = arith.constant 3 : i32
    %dma_start3A_39 = arith.constant 3 : i32
    %dma_start3A_40 = arith.constant 0 : i32
    %dma_start3A_41 = arith.constant 0 : i32
    %dma_start3A_42 = tpu.memref_slice %arg10[%dma_start3A_39, %dma_start3A_40, %dma_start3A_41] : memref<4x128x128xf32, #tpu.memory_space<vmem>> -> memref<1x128x128xf32, #tpu.memory_space<vmem>>
    %dma_start3A_43 = tpu.memref_squeeze %dma_start3A_42 : memref<1x128x128xf32, #tpu.memory_space<vmem>> -> memref<128x128xf32, #tpu.memory_space<vmem>>
    %dma_start3A_44 = arith.constant 0 : i32
    %dma_start3A_45 = tpu.memref_slice %arg8[%dma_start3A_38, %dma_start3A_44] : memref<4x128xi32, #tpu.memory_space<vmem>> -> memref<1x128xi32, #tpu.memory_space<vmem>>
    %dma_start3A_46 = tpu.memref_squeeze %dma_start3A_45 : memref<1x128xi32, #tpu.memory_space<vmem>> -> memref<128xi32, #tpu.memory_space<vmem>>
    %dma_start3A_47 = arith.constant 0 : i32
    %dma_start3A_48 = arith.constant 0 : i32
    %dma_start3A_49 = tpu.memref_slice %arg4[%dma_start3A_47, %dma_start3A_48] : memref<100000x128xf32, #tpu.memory_space<hbm>> -> memref<100000x128xf32, #tpu.memory_space<hbm>>
    tpu.enqueue_indirect_dma source(%dma_start3A_49 : memref<100000x128xf32, #tpu.memory_space<hbm>>) target(%dma_start3A_43 : memref<128x128xf32, #tpu.memory_space<vmem>>) offsets(%dma_start3A_46 : memref<128xi32, #tpu.memory_space<vmem>>) semaphore(%arg12 : memref<!tpu.dma_semaphore, #tpu.memory_space<semaphore_mem>>)
    %dma_wait3A = arith.constant 0 : i32
    %dma_wait3A_50 = arith.constant 0 : i32
    %dma_wait3A_51 = arith.constant 0 : i32
    %dma_wait3A_52 = arith.constant 0 : i32
    %dma_wait3A_53 = tpu.memref_slice %arg10[%dma_wait3A_50, %dma_wait3A_51, %dma_wait3A_52] : memref<4x128x128xf32, #tpu.memory_space<vmem>> -> memref<1x128x128xf32, #tpu.memory_space<vmem>>
    %dma_wait3A_54 = tpu.memref_squeeze %dma_wait3A_53 : memref<1x128x128xf32, #tpu.memory_space<vmem>> -> memref<128x128xf32, #tpu.memory_space<vmem>>
    %dma_wait3A_55 = arith.constant 0 : i32
    %dma_wait3A_56 = tpu.memref_slice %arg8[%dma_wait3A, %dma_wait3A_55] : memref<4x128xi32, #tpu.memory_space<vmem>> -> memref<1x128xi32, #tpu.memory_space<vmem>>
    %dma_wait3A_57 = tpu.memref_squeeze %dma_wait3A_56 : memref<1x128xi32, #tpu.memory_space<vmem>> -> memref<128xi32, #tpu.memory_space<vmem>>
    %dma_wait3A_58 = arith.constant 0 : i32
    %dma_wait3A_59 = arith.constant 0 : i32
    %dma_wait3A_60 = tpu.memref_slice %arg4[%dma_wait3A_58, %dma_wait3A_59] : memref<100000x128xf32, #tpu.memory_space<hbm>> -> memref<100000x128xf32, #tpu.memory_space<hbm>>
    tpu.wait_indirect_dma semaphore(%arg12 : memref<!tpu.dma_semaphore, #tpu.memory_space<semaphore_mem>>) src(%dma_wait3A_60 : memref<100000x128xf32, #tpu.memory_space<hbm>>) dst(%dma_wait3A_54 : memref<128x128xf32, #tpu.memory_space<vmem>>)
    %dma_wait3A_61 = arith.constant 1 : i32
    %dma_wait3A_62 = arith.constant 1 : i32
    %dma_wait3A_63 = arith.constant 0 : i32
    %dma_wait3A_64 = arith.constant 0 : i32
    %dma_wait3A_65 = tpu.memref_slice %arg10[%dma_wait3A_62, %dma_wait3A_63, %dma_wait3A_64] : memref<4x128x128xf32, #tpu.memory_space<vmem>> -> memref<1x128x128xf32, #tpu.memory_space<vmem>>
    %dma_wait3A_66 = tpu.memref_squeeze %dma_wait3A_65 : memref<1x128x128xf32, #tpu.memory_space<vmem>> -> memref<128x128xf32, #tpu.memory_space<vmem>>
    %dma_wait3A_67 = arith.constant 0 : i32
    %dma_wait3A_68 = tpu.memref_slice %arg8[%dma_wait3A_61, %dma_wait3A_67] : memref<4x128xi32, #tpu.memory_space<vmem>> -> memref<1x128xi32, #tpu.memory_space<vmem>>
    %dma_wait3A_69 = tpu.memref_squeeze %dma_wait3A_68 : memref<1x128xi32, #tpu.memory_space<vmem>> -> memref<128xi32, #tpu.memory_space<vmem>>
    %dma_wait3A_70 = arith.constant 0 : i32
    %dma_wait3A_71 = arith.constant 0 : i32
    %dma_wait3A_72 = tpu.memref_slice %arg4[%dma_wait3A_70, %dma_wait3A_71] : memref<100000x128xf32, #tpu.memory_space<hbm>> -> memref<100000x128xf32, #tpu.memory_space<hbm>>
    tpu.wait_indirect_dma semaphore(%arg12 : memref<!tpu.dma_semaphore, #tpu.memory_space<semaphore_mem>>) src(%dma_wait3A_72 : memref<100000x128xf32, #tpu.memory_space<hbm>>) dst(%dma_wait3A_66 : memref<128x128xf32, #tpu.memory_space<vmem>>)
    %dma_wait3A_73 = arith.constant 2 : i32
    %dma_wait3A_74 = arith.constant 2 : i32
    %dma_wait3A_75 = arith.constant 0 : i32
    %dma_wait3A_76 = arith.constant 0 : i32
    %dma_wait3A_77 = tpu.memref_slice %arg10[%dma_wait3A_74, %dma_wait3A_75, %dma_wait3A_76] : memref<4x128x128xf32, #tpu.memory_space<vmem>> -> memref<1x128x128xf32, #tpu.memory_space<vmem>>
    %dma_wait3A_78 = tpu.memref_squeeze %dma_wait3A_77 : memref<1x128x128xf32, #tpu.memory_space<vmem>> -> memref<128x128xf32, #tpu.memory_space<vmem>>
    %dma_wait3A_79 = arith.constant 0 : i32
    %dma_wait3A_80 = tpu.memref_slice %arg8[%dma_wait3A_73, %dma_wait3A_79] : memref<4x128xi32, #tpu.memory_space<vmem>> -> memref<1x128xi32, #tpu.memory_space<vmem>>
    %dma_wait3A_81 = tpu.memref_squeeze %dma_wait3A_80 : memref<1x128xi32, #tpu.memory_space<vmem>> -> memref<128xi32, #tpu.memory_space<vmem>>
    %dma_wait3A_82 = arith.constant 0 : i32
    %dma_wait3A_83 = arith.constant 0 : i32
    %dma_wait3A_84 = tpu.memref_slice %arg4[%dma_wait3A_82, %dma_wait3A_83] : memref<100000x128xf32, #tpu.memory_space<hbm>> -> memref<100000x128xf32, #tpu.memory_space<hbm>>
    tpu.wait_indirect_dma semaphore(%arg12 : memref<!tpu.dma_semaphore, #tpu.memory_space<semaphore_mem>>) src(%dma_wait3A_84 : memref<100000x128xf32, #tpu.memory_space<hbm>>) dst(%dma_wait3A_78 : memref<128x128xf32, #tpu.memory_space<vmem>>)
    %dma_wait3A_85 = arith.constant 3 : i32
    %dma_wait3A_86 = arith.constant 3 : i32
    %dma_wait3A_87 = arith.constant 0 : i32
    %dma_wait3A_88 = arith.constant 0 : i32
    %dma_wait3A_89 = tpu.memref_slice %arg10[%dma_wait3A_86, %dma_wait3A_87, %dma_wait3A_88] : memref<4x128x128xf32, #tpu.memory_space<vmem>> -> memref<1x128x128xf32, #tpu.memory_space<vmem>>
    %dma_wait3A_90 = tpu.memref_squeeze %dma_wait3A_89 : memref<1x128x128xf32, #tpu.memory_space<vmem>> -> memref<128x128xf32, #tpu.memory_space<vmem>>
    %dma_wait3A_91 = arith.constant 0 : i32
    %dma_wait3A_92 = tpu.memref_slice %arg8[%dma_wait3A_85, %dma_wait3A_91] : memref<4x128xi32, #tpu.memory_space<vmem>> -> memref<1x128xi32, #tpu.memory_space<vmem>>
    %dma_wait3A_93 = tpu.memref_squeeze %dma_wait3A_92 : memref<1x128xi32, #tpu.memory_space<vmem>> -> memref<128xi32, #tpu.memory_space<vmem>>
    %dma_wait3A_94 = arith.constant 0 : i32
    %dma_wait3A_95 = arith.constant 0 : i32
    %dma_wait3A_96 = tpu.memref_slice %arg4[%dma_wait3A_94, %dma_wait3A_95] : memref<100000x128xf32, #tpu.memory_space<hbm>> -> memref<100000x128xf32, #tpu.memory_space<hbm>>
    tpu.wait_indirect_dma semaphore(%arg12 : memref<!tpu.dma_semaphore, #tpu.memory_space<semaphore_mem>>) src(%dma_wait3A_96 : memref<100000x128xf32, #tpu.memory_space<hbm>>) dst(%dma_wait3A_90 : memref<128x128xf32, #tpu.memory_space<vmem>>)
    %dma_start3A_97 = arith.constant 0 : i32
    %dma_start3A_98 = arith.constant 0 : i32
    %dma_start3A_99 = tpu.memref_slice %arg6[%mul3A_2, %dma_start3A_97, %dma_start3A_98] : memref<128x128x128xf32, #tpu.memory_space<hbm>> -> memref<4x128x128xf32, #tpu.memory_space<hbm>>
    %dma_start3A_100 = arith.constant 0 : i32
    %dma_start3A_101 = arith.constant 0 : i32
    %dma_start3A_102 = tpu.memref_slice %arg6[%mul3A_2, %dma_start3A_100, %dma_start3A_101] : memref<128x128x128xf32, #tpu.memory_space<hbm>> -> memref<4x128x128xf32, #tpu.memory_space<hbm>>
    tpu.enqueue_dma source(%arg10 : memref<4x128x128xf32, #tpu.memory_space<vmem>>) target(%dma_start3A_102 : memref<4x128x128xf32, #tpu.memory_space<hbm>>) target_semaphore(%arg13 : memref<!tpu.dma_semaphore, #tpu.memory_space<semaphore_mem>>)
    %dma_start3A_103 = arith.constant 0 : i32
    %dma_start3A_104 = arith.constant 0 : i32
    %dma_start3A_105 = arith.constant 0 : i32
    %dma_start3A_106 = arith.constant 0 : i32
    %dma_start3A_107 = tpu.memref_slice %arg11[%dma_start3A_104, %dma_start3A_105, %dma_start3A_106] : memref<2x128x128xf32, #tpu.memory_space<vmem>> -> memref<1x128x128xf32, #tpu.memory_space<vmem>>
    %dma_start3A_108 = tpu.memref_squeeze %dma_start3A_107 : memref<1x128x128xf32, #tpu.memory_space<vmem>> -> memref<128x128xf32, #tpu.memory_space<vmem>>
    %dma_start3A_109 = arith.constant 0 : i32
    %dma_start3A_110 = tpu.memref_slice %arg9[%dma_start3A_103, %dma_start3A_109] : memref<4x128xi32, #tpu.memory_space<vmem>> -> memref<1x128xi32, #tpu.memory_space<vmem>>
    %dma_start3A_111 = tpu.memref_squeeze %dma_start3A_110 : memref<1x128xi32, #tpu.memory_space<vmem>> -> memref<128xi32, #tpu.memory_space<vmem>>
    %dma_start3A_112 = arith.constant 0 : i32
    %dma_start3A_113 = arith.constant 0 : i32
    %dma_start3A_114 = tpu.memref_slice %arg5[%dma_start3A_112, %dma_start3A_113] : memref<100000x128xf32, #tpu.memory_space<hbm>> -> memref<100000x128xf32, #tpu.memory_space<hbm>>
    tpu.enqueue_indirect_dma source(%dma_start3A_114 : memref<100000x128xf32, #tpu.memory_space<hbm>>) target(%dma_start3A_108 : memref<128x128xf32, #tpu.memory_space<vmem>>) offsets(%dma_start3A_111 : memref<128xi32, #tpu.memory_space<vmem>>) semaphore(%arg12 : memref<!tpu.dma_semaphore, #tpu.memory_space<semaphore_mem>>)
    %dma_start3A_115 = arith.constant 1 : i32
    %dma_start3A_116 = arith.constant 1 : i32
    %dma_start3A_117 = arith.constant 0 : i32
    %dma_start3A_118 = arith.constant 0 : i32
    %dma_start3A_119 = tpu.memref_slice %arg11[%dma_start3A_116, %dma_start3A_117, %dma_start3A_118] : memref<2x128x128xf32, #tpu.memory_space<vmem>> -> memref<1x128x128xf32, #tpu.memory_space<vmem>>
    %dma_start3A_120 = tpu.memref_squeeze %dma_start3A_119 : memref<1x128x128xf32, #tpu.memory_space<vmem>> -> memref<128x128xf32, #tpu.memory_space<vmem>>
    %dma_start3A_121 = arith.constant 0 : i32
    %dma_start3A_122 = tpu.memref_slice %arg9[%dma_start3A_115, %dma_start3A_121] : memref<4x128xi32, #tpu.memory_space<vmem>> -> memref<1x128xi32, #tpu.memory_space<vmem>>
    %dma_start3A_123 = tpu.memref_squeeze %dma_start3A_122 : memref<1x128xi32, #tpu.memory_space<vmem>> -> memref<128xi32, #tpu.memory_space<vmem>>
    %dma_start3A_124 = arith.constant 0 : i32
    %dma_start3A_125 = arith.constant 0 : i32
    %dma_start3A_126 = tpu.memref_slice %arg5[%dma_start3A_124, %dma_start3A_125] : memref<100000x128xf32, #tpu.memory_space<hbm>> -> memref<100000x128xf32, #tpu.memory_space<hbm>>
    tpu.enqueue_indirect_dma source(%dma_start3A_126 : memref<100000x128xf32, #tpu.memory_space<hbm>>) target(%dma_start3A_120 : memref<128x128xf32, #tpu.memory_space<vmem>>) offsets(%dma_start3A_123 : memref<128xi32, #tpu.memory_space<vmem>>) semaphore(%arg12 : memref<!tpu.dma_semaphore, #tpu.memory_space<semaphore_mem>>)
    %dma_wait3A_127 = arith.constant 0 : i32
    %dma_wait3A_128 = arith.constant 0 : i32
    %dma_wait3A_129 = arith.constant 0 : i32
    %dma_wait3A_130 = arith.constant 0 : i32
    %dma_wait3A_131 = tpu.memref_slice %arg11[%dma_wait3A_128, %dma_wait3A_129, %dma_wait3A_130] : memref<2x128x128xf32, #tpu.memory_space<vmem>> -> memref<1x128x128xf32, #tpu.memory_space<vmem>>
    %dma_wait3A_132 = tpu.memref_squeeze %dma_wait3A_131 : memref<1x128x128xf32, #tpu.memory_space<vmem>> -> memref<128x128xf32, #tpu.memory_space<vmem>>
    %dma_wait3A_133 = arith.constant 0 : i32
    %dma_wait3A_134 = tpu.memref_slice %arg9[%dma_wait3A_127, %dma_wait3A_133] : memref<4x128xi32, #tpu.memory_space<vmem>> -> memref<1x128xi32, #tpu.memory_space<vmem>>
    %dma_wait3A_135 = tpu.memref_squeeze %dma_wait3A_134 : memref<1x128xi32, #tpu.memory_space<vmem>> -> memref<128xi32, #tpu.memory_space<vmem>>
    %dma_wait3A_136 = arith.constant 0 : i32
    %dma_wait3A_137 = arith.constant 0 : i32
    %dma_wait3A_138 = tpu.memref_slice %arg5[%dma_wait3A_136, %dma_wait3A_137] : memref<100000x128xf32, #tpu.memory_space<hbm>> -> memref<100000x128xf32, #tpu.memory_space<hbm>>
    tpu.wait_indirect_dma semaphore(%arg12 : memref<!tpu.dma_semaphore, #tpu.memory_space<semaphore_mem>>) src(%dma_wait3A_138 : memref<100000x128xf32, #tpu.memory_space<hbm>>) dst(%dma_wait3A_132 : memref<128x128xf32, #tpu.memory_space<vmem>>)
    %dma_wait3A_139 = arith.constant 1 : i32
    %dma_wait3A_140 = arith.constant 1 : i32
    %dma_wait3A_141 = arith.constant 0 : i32
    %dma_wait3A_142 = arith.constant 0 : i32
    %dma_wait3A_143 = tpu.memref_slice %arg11[%dma_wait3A_140, %dma_wait3A_141, %dma_wait3A_142] : memref<2x128x128xf32, #tpu.memory_space<vmem>> -> memref<1x128x128xf32, #tpu.memory_space<vmem>>
    %dma_wait3A_144 = tpu.memref_squeeze %dma_wait3A_143 : memref<1x128x128xf32, #tpu.memory_space<vmem>> -> memref<128x128xf32, #tpu.memory_space<vmem>>
    %dma_wait3A_145 = arith.constant 0 : i32
    %dma_wait3A_146 = tpu.memref_slice %arg9[%dma_wait3A_139, %dma_wait3A_145] : memref<4x128xi32, #tpu.memory_space<vmem>> -> memref<1x128xi32, #tpu.memory_space<vmem>>
    %dma_wait3A_147 = tpu.memref_squeeze %dma_wait3A_146 : memref<1x128xi32, #tpu.memory_space<vmem>> -> memref<128xi32, #tpu.memory_space<vmem>>
    %dma_wait3A_148 = arith.constant 0 : i32
    %dma_wait3A_149 = arith.constant 0 : i32
    %dma_wait3A_150 = tpu.memref_slice %arg5[%dma_wait3A_148, %dma_wait3A_149] : memref<100000x128xf32, #tpu.memory_space<hbm>> -> memref<100000x128xf32, #tpu.memory_space<hbm>>
    tpu.wait_indirect_dma semaphore(%arg12 : memref<!tpu.dma_semaphore, #tpu.memory_space<semaphore_mem>>) src(%dma_wait3A_150 : memref<100000x128xf32, #tpu.memory_space<hbm>>) dst(%dma_wait3A_144 : memref<128x128xf32, #tpu.memory_space<vmem>>)
    %dma_start3A_151 = arith.constant 0 : i32
    %dma_start3A_152 = arith.constant 0 : i32
    %dma_start3A_153 = tpu.memref_slice %arg7[%mul3A_2, %dma_start3A_151, %dma_start3A_152] : memref<128x128x128xf32, #tpu.memory_space<hbm>> -> memref<2x128x128xf32, #tpu.memory_space<hbm>>
    %dma_start3A_154 = arith.constant 0 : i32
    %dma_start3A_155 = arith.constant 0 : i32
    %dma_start3A_156 = tpu.memref_slice %arg7[%mul3A_2, %dma_start3A_154, %dma_start3A_155] : memref<128x128x128xf32, #tpu.memory_space<hbm>> -> memref<2x128x128xf32, #tpu.memory_space<hbm>>
    tpu.enqueue_dma source(%arg11 : memref<2x128x128xf32, #tpu.memory_space<vmem>>) target(%dma_start3A_156 : memref<2x128x128xf32, #tpu.memory_space<hbm>>) target_semaphore(%arg13 : memref<!tpu.dma_semaphore, #tpu.memory_space<semaphore_mem>>)
    %dma_wait3A_157 = arith.constant 0 : i32
    %dma_wait3A_158 = arith.constant 0 : i32
    %dma_wait3A_159 = tpu.memref_slice %arg6[%mul3A_2, %dma_wait3A_157, %dma_wait3A_158] : memref<128x128x128xf32, #tpu.memory_space<hbm>> -> memref<4x128x128xf32, #tpu.memory_space<hbm>>
    %dma_wait3A_160 = arith.constant 0 : i32
    %dma_wait3A_161 = arith.constant 0 : i32
    %dma_wait3A_162 = tpu.memref_slice %arg6[%mul3A_2, %dma_wait3A_160, %dma_wait3A_161] : memref<128x128x128xf32, #tpu.memory_space<hbm>> -> memref<4x128x128xf32, #tpu.memory_space<hbm>>
    tpu.wait_dma2 semaphore(%arg13 : memref<!tpu.dma_semaphore, #tpu.memory_space<semaphore_mem>>) src(%arg10 : memref<4x128x128xf32, #tpu.memory_space<vmem>>) dst(%dma_wait3A_162 : memref<4x128x128xf32, #tpu.memory_space<hbm>>)
    %dma_start3A_163 = arith.constant 2 : i32
    %dma_start3A_164 = arith.constant 0 : i32
    %dma_start3A_165 = arith.constant 0 : i32
    %dma_start3A_166 = arith.constant 0 : i32
    %dma_start3A_167 = tpu.memref_slice %arg10[%dma_start3A_164, %dma_start3A_165, %dma_start3A_166] : memref<4x128x128xf32, #tpu.memory_space<vmem>> -> memref<1x128x128xf32, #tpu.memory_space<vmem>>
    %dma_start3A_168 = tpu.memref_squeeze %dma_start3A_167 : memref<1x128x128xf32, #tpu.memory_space<vmem>> -> memref<128x128xf32, #tpu.memory_space<vmem>>
    %dma_start3A_169 = arith.constant 0 : i32
    %dma_start3A_170 = tpu.memref_slice %arg9[%dma_start3A_163, %dma_start3A_169] : memref<4x128xi32, #tpu.memory_space<vmem>> -> memref<1x128xi32, #tpu.memory_space<vmem>>
    %dma_start3A_171 = tpu.memref_squeeze %dma_start3A_170 : memref<1x128xi32, #tpu.memory_space<vmem>> -> memref<128xi32, #tpu.memory_space<vmem>>
    %dma_start3A_172 = arith.constant 0 : i32
    %dma_start3A_173 = arith.constant 0 : i32
    %dma_start3A_174 = tpu.memref_slice %arg5[%dma_start3A_172, %dma_start3A_173] : memref<100000x128xf32, #tpu.memory_space<hbm>> -> memref<100000x128xf32, #tpu.memory_space<hbm>>
    tpu.enqueue_indirect_dma source(%dma_start3A_174 : memref<100000x128xf32, #tpu.memory_space<hbm>>) target(%dma_start3A_168 : memref<128x128xf32, #tpu.memory_space<vmem>>) offsets(%dma_start3A_171 : memref<128xi32, #tpu.memory_space<vmem>>) semaphore(%arg12 : memref<!tpu.dma_semaphore, #tpu.memory_space<semaphore_mem>>)
    %dma_start3A_175 = arith.constant 3 : i32
    %dma_start3A_176 = arith.constant 1 : i32
    %dma_start3A_177 = arith.constant 0 : i32
    %dma_start3A_178 = arith.constant 0 : i32
    %dma_start3A_179 = tpu.memref_slice %arg10[%dma_start3A_176, %dma_start3A_177, %dma_start3A_178] : memref<4x128x128xf32, #tpu.memory_space<vmem>> -> memref<1x128x128xf32, #tpu.memory_space<vmem>>
    %dma_start3A_180 = tpu.memref_squeeze %dma_start3A_179 : memref<1x128x128xf32, #tpu.memory_space<vmem>> -> memref<128x128xf32, #tpu.memory_space<vmem>>
    %dma_start3A_181 = arith.constant 0 : i32
    %dma_start3A_182 = tpu.memref_slice %arg9[%dma_start3A_175, %dma_start3A_181] : memref<4x128xi32, #tpu.memory_space<vmem>> -> memref<1x128xi32, #tpu.memory_space<vmem>>
    %dma_start3A_183 = tpu.memref_squeeze %dma_start3A_182 : memref<1x128xi32, #tpu.memory_space<vmem>> -> memref<128xi32, #tpu.memory_space<vmem>>
    %dma_start3A_184 = arith.constant 0 : i32
    %dma_start3A_185 = arith.constant 0 : i32
    %dma_start3A_186 = tpu.memref_slice %arg5[%dma_start3A_184, %dma_start3A_185] : memref<100000x128xf32, #tpu.memory_space<hbm>> -> memref<100000x128xf32, #tpu.memory_space<hbm>>
    tpu.enqueue_indirect_dma source(%dma_start3A_186 : memref<100000x128xf32, #tpu.memory_space<hbm>>) target(%dma_start3A_180 : memref<128x128xf32, #tpu.memory_space<vmem>>) offsets(%dma_start3A_183 : memref<128xi32, #tpu.memory_space<vmem>>) semaphore(%arg12 : memref<!tpu.dma_semaphore, #tpu.memory_space<semaphore_mem>>)
    %dma_wait3A_187 = arith.constant 2 : i32
    %dma_wait3A_188 = arith.constant 0 : i32
    %dma_wait3A_189 = arith.constant 0 : i32
    %dma_wait3A_190 = arith.constant 0 : i32
    %dma_wait3A_191 = tpu.memref_slice %arg10[%dma_wait3A_188, %dma_wait3A_189, %dma_wait3A_190] : memref<4x128x128xf32, #tpu.memory_space<vmem>> -> memref<1x128x128xf32, #tpu.memory_space<vmem>>
    %dma_wait3A_192 = tpu.memref_squeeze %dma_wait3A_191 : memref<1x128x128xf32, #tpu.memory_space<vmem>> -> memref<128x128xf32, #tpu.memory_space<vmem>>
    %dma_wait3A_193 = arith.constant 0 : i32
    %dma_wait3A_194 = tpu.memref_slice %arg9[%dma_wait3A_187, %dma_wait3A_193] : memref<4x128xi32, #tpu.memory_space<vmem>> -> memref<1x128xi32, #tpu.memory_space<vmem>>
    %dma_wait3A_195 = tpu.memref_squeeze %dma_wait3A_194 : memref<1x128xi32, #tpu.memory_space<vmem>> -> memref<128xi32, #tpu.memory_space<vmem>>
    %dma_wait3A_196 = arith.constant 0 : i32
    %dma_wait3A_197 = arith.constant 0 : i32
    %dma_wait3A_198 = tpu.memref_slice %arg5[%dma_wait3A_196, %dma_wait3A_197] : memref<100000x128xf32, #tpu.memory_space<hbm>> -> memref<100000x128xf32, #tpu.memory_space<hbm>>
    tpu.wait_indirect_dma semaphore(%arg12 : memref<!tpu.dma_semaphore, #tpu.memory_space<semaphore_mem>>) src(%dma_wait3A_198 : memref<100000x128xf32, #tpu.memory_space<hbm>>) dst(%dma_wait3A_192 : memref<128x128xf32, #tpu.memory_space<vmem>>)
    %dma_wait3A_199 = arith.constant 3 : i32
    %dma_wait3A_200 = arith.constant 1 : i32
    %dma_wait3A_201 = arith.constant 0 : i32
    %dma_wait3A_202 = arith.constant 0 : i32
    %dma_wait3A_203 = tpu.memref_slice %arg10[%dma_wait3A_200, %dma_wait3A_201, %dma_wait3A_202] : memref<4x128x128xf32, #tpu.memory_space<vmem>> -> memref<1x128x128xf32, #tpu.memory_space<vmem>>
    %dma_wait3A_204 = tpu.memref_squeeze %dma_wait3A_203 : memref<1x128x128xf32, #tpu.memory_space<vmem>> -> memref<128x128xf32, #tpu.memory_space<vmem>>
    %dma_wait3A_205 = arith.constant 0 : i32
    %dma_wait3A_206 = tpu.memref_slice %arg9[%dma_wait3A_199, %dma_wait3A_205] : memref<4x128xi32, #tpu.memory_space<vmem>> -> memref<1x128xi32, #tpu.memory_space<vmem>>
    %dma_wait3A_207 = tpu.memref_squeeze %dma_wait3A_206 : memref<1x128xi32, #tpu.memory_space<vmem>> -> memref<128xi32, #tpu.memory_space<vmem>>
    %dma_wait3A_208 = arith.constant 0 : i32
    %dma_wait3A_209 = arith.constant 0 : i32
    %dma_wait3A_210 = tpu.memref_slice %arg5[%dma_wait3A_208, %dma_wait3A_209] : memref<100000x128xf32, #tpu.memory_space<hbm>> -> memref<100000x128xf32, #tpu.memory_space<hbm>>
    tpu.wait_indirect_dma semaphore(%arg12 : memref<!tpu.dma_semaphore, #tpu.memory_space<semaphore_mem>>) src(%dma_wait3A_210 : memref<100000x128xf32, #tpu.memory_space<hbm>>) dst(%dma_wait3A_204 : memref<128x128xf32, #tpu.memory_space<vmem>>)
    %add3A_211 = arith.constant 2 : i32
    %add3A_212 = arith.addi %mul3A_2, %add3A_211 : i32
    %dma_start3A_213 = arith.constant 0 : i32
    %dma_start3A_214 = arith.constant 0 : i32
    %dma_start3A_215 = arith.constant 0 : i32
    %dma_start3A_216 = tpu.memref_slice %arg10[%dma_start3A_213, %dma_start3A_214, %dma_start3A_215] : memref<4x128x128xf32, #tpu.memory_space<vmem>> -> memref<2x128x128xf32, #tpu.memory_space<vmem>>
    %dma_start3A_217 = arith.constant 0 : i32
    %dma_start3A_218 = arith.constant 0 : i32
    %dma_start3A_219 = tpu.memref_slice %arg7[%add3A_212, %dma_start3A_217, %dma_start3A_218] : memref<128x128x128xf32, #tpu.memory_space<hbm>> -> memref<2x128x128xf32, #tpu.memory_space<hbm>>
    %dma_start3A_220 = arith.constant 0 : i32
    %dma_start3A_221 = arith.constant 0 : i32
    %dma_start3A_222 = tpu.memref_slice %arg7[%add3A_212, %dma_start3A_220, %dma_start3A_221] : memref<128x128x128xf32, #tpu.memory_space<hbm>> -> memref<2x128x128xf32, #tpu.memory_space<hbm>>
    %dma_start3A_223 = arith.constant 0 : i32
    %dma_start3A_224 = arith.constant 0 : i32
    %dma_start3A_225 = arith.constant 0 : i32
    %dma_start3A_226 = tpu.memref_slice %arg10[%dma_start3A_223, %dma_start3A_224, %dma_start3A_225] : memref<4x128x128xf32, #tpu.memory_space<vmem>> -> memref<2x128x128xf32, #tpu.memory_space<vmem>>
    tpu.enqueue_dma source(%dma_start3A_226 : memref<2x128x128xf32, #tpu.memory_space<vmem>>) target(%dma_start3A_222 : memref<2x128x128xf32, #tpu.memory_space<hbm>>) target_semaphore(%arg13 : memref<!tpu.dma_semaphore, #tpu.memory_space<semaphore_mem>>)
    %dma_wait3A_227 = arith.constant 0 : i32
    %dma_wait3A_228 = arith.constant 0 : i32
    %dma_wait3A_229 = tpu.memref_slice %arg7[%mul3A_2, %dma_wait3A_227, %dma_wait3A_228] : memref<128x128x128xf32, #tpu.memory_space<hbm>> -> memref<2x128x128xf32, #tpu.memory_space<hbm>>
    %dma_wait3A_230 = arith.constant 0 : i32
    %dma_wait3A_231 = arith.constant 0 : i32
    %dma_wait3A_232 = tpu.memref_slice %arg7[%mul3A_2, %dma_wait3A_230, %dma_wait3A_231] : memref<128x128x128xf32, #tpu.memory_space<hbm>> -> memref<2x128x128xf32, #tpu.memory_space<hbm>>
    tpu.wait_dma2 semaphore(%arg13 : memref<!tpu.dma_semaphore, #tpu.memory_space<semaphore_mem>>) src(%arg11 : memref<2x128x128xf32, #tpu.memory_space<vmem>>) dst(%dma_wait3A_232 : memref<2x128x128xf32, #tpu.memory_space<hbm>>)
    %dma_wait3A_233 = arith.constant 0 : i32
    %dma_wait3A_234 = arith.constant 0 : i32
    %dma_wait3A_235 = arith.constant 0 : i32
    %dma_wait3A_236 = tpu.memref_slice %arg10[%dma_wait3A_233, %dma_wait3A_234, %dma_wait3A_235] : memref<4x128x128xf32, #tpu.memory_space<vmem>> -> memref<2x128x128xf32, #tpu.memory_space<vmem>>
    %dma_wait3A_237 = arith.constant 0 : i32
    %dma_wait3A_238 = arith.constant 0 : i32
    %dma_wait3A_239 = tpu.memref_slice %arg7[%add3A_212, %dma_wait3A_237, %dma_wait3A_238] : memref<128x128x128xf32, #tpu.memory_space<hbm>> -> memref<2x128x128xf32, #tpu.memory_space<hbm>>
    %dma_wait3A_240 = arith.constant 0 : i32
    %dma_wait3A_241 = arith.constant 0 : i32
    %dma_wait3A_242 = tpu.memref_slice %arg7[%add3A_212, %dma_wait3A_240, %dma_wait3A_241] : memref<128x128x128xf32, #tpu.memory_space<hbm>> -> memref<2x128x128xf32, #tpu.memory_space<hbm>>
    %dma_wait3A_243 = arith.constant 0 : i32
    %dma_wait3A_244 = arith.constant 0 : i32
    %dma_wait3A_245 = arith.constant 0 : i32
    %dma_wait3A_246 = tpu.memref_slice %arg10[%dma_wait3A_243, %dma_wait3A_244, %dma_wait3A_245] : memref<4x128x128xf32, #tpu.memory_space<vmem>> -> memref<2x128x128xf32, #tpu.memory_space<vmem>>
    tpu.wait_dma2 semaphore(%arg13 : memref<!tpu.dma_semaphore, #tpu.memory_space<semaphore_mem>>) src(%dma_wait3A_246 : memref<2x128x128xf32, #tpu.memory_space<vmem>>) dst(%dma_wait3A_242 : memref<2x128x128xf32, #tpu.memory_space<hbm>>)
    return
  }
}

module attributes {stable_mosaic.version = 14 : i64} {
  func.func @ncf_tc_mlp(%arg0: i32, %arg1: memref<8192x128xf32, #tpu.memory_space<vmem>>, %arg2: memref<8192x128xf32, #tpu.memory_space<vmem>>, %arg3: memref<128x128xf32, #tpu.memory_space<vmem>>, %arg4: memref<128x128xf32, #tpu.memory_space<vmem>>, %arg5: memref<128x1xf32, #tpu.memory_space<vmem>>, %arg6: memref<128x64xf32, #tpu.memory_space<vmem>>, %arg7: memref<64x1xf32, #tpu.memory_space<vmem>>, %arg8: memref<64x32xf32, #tpu.memory_space<vmem>>, %arg9: memref<32x1xf32, #tpu.memory_space<vmem>>, %arg10: memref<32x1xf32, #tpu.memory_space<vmem>>, %arg11: memref<1x1xf32, #tpu.memory_space<vmem>>, %arg12: memref<1x8192xf32, #tpu.memory_space<vmem>>) attributes {dimension_semantics = [#tpu.dimension_semantics<parallel>], iteration_bounds = array<i64: 2>, scalar_prefetch = 0 : i64, scratch_operands = 0 : i64, tpu.core_type = #tpu.core_type<tc>, window_params = [{transform_indices = @transform_0, window_bounds = array<i64: 8192, 128>}, {transform_indices = @transform_1, window_bounds = array<i64: 8192, 128>}, {pipeline_mode = #tpu.pipeline_mode<synchronous>, transform_indices = @transform_2, window_bounds = array<i64: 128, 128>}, {pipeline_mode = #tpu.pipeline_mode<synchronous>, transform_indices = @transform_3, window_bounds = array<i64: 128, 128>}, {pipeline_mode = #tpu.pipeline_mode<synchronous>, transform_indices = @transform_4, window_bounds = array<i64: 128, 1>}, {pipeline_mode = #tpu.pipeline_mode<synchronous>, transform_indices = @transform_5, window_bounds = array<i64: 128, 64>}, {pipeline_mode = #tpu.pipeline_mode<synchronous>, transform_indices = @transform_6, window_bounds = array<i64: 64, 1>}, {pipeline_mode = #tpu.pipeline_mode<synchronous>, transform_indices = @transform_7, window_bounds = array<i64: 64, 32>}, {pipeline_mode = #tpu.pipeline_mode<synchronous>, transform_indices = @transform_8, window_bounds = array<i64: 32, 1>}, {pipeline_mode = #tpu.pipeline_mode<synchronous>, transform_indices = @transform_9, window_bounds = array<i64: 32, 1>}, {pipeline_mode = #tpu.pipeline_mode<synchronous>, transform_indices = @transform_10, window_bounds = array<i64: 1, 1>}, {transform_indices = @transform_11, window_bounds = array<i64: 1, 8192>}]} {
    %get3A = arith.constant 0 : index
    %get3A_0 = arith.constant 0 : index
    %get3A_1 = vector.load %arg1[%get3A, %get3A_0] : memref<8192x128xf32, #tpu.memory_space<vmem>>, vector<8192x128xf32>
    %transpose3A = tpu.transpose %get3A_1, [1, 0] : vector<8192x128xf32> -> vector<128x8192xf32>
    %get3A_2 = arith.constant 0 : index
    %get3A_3 = arith.constant 0 : index
    %get3A_4 = vector.load %arg2[%get3A_2, %get3A_3] : memref<8192x128xf32, #tpu.memory_space<vmem>>, vector<8192x128xf32>
    %transpose3A_5 = tpu.transpose %get3A_4, [1, 0] : vector<8192x128xf32> -> vector<128x8192xf32>
    %get3A_6 = arith.constant 0 : index
    %get3A_7 = arith.constant 0 : index
    %get3A_8 = vector.load %arg3[%get3A_6, %get3A_7] : memref<128x128xf32, #tpu.memory_space<vmem>>, vector<128x128xf32>
    %dot_general3A = arith.constant dense<0.000000e+00> : vector<128x8192xf32>
    %dot_general3A_9 = tpu.matmul %get3A_8, %transpose3A, %dot_general3A {dimension_numbers = #tpu.dot_dimension_numbers<[0], [0], [1], [1], [0, 1, 1, 1], [], []>, transpose_lhs_hint = false} : vector<128x128xf32>, vector<128x8192xf32>, vector<128x8192xf32> -> vector<128x8192xf32>
    %get3A_10 = arith.constant 0 : index
    %get3A_11 = arith.constant 0 : index
    %get3A_12 = vector.load %arg4[%get3A_10, %get3A_11] : memref<128x128xf32, #tpu.memory_space<vmem>>, vector<128x128xf32>
    %dot_general3A_13 = arith.constant dense<0.000000e+00> : vector<128x8192xf32>
    %dot_general3A_14 = tpu.matmul %get3A_12, %transpose3A_5, %dot_general3A_13 {dimension_numbers = #tpu.dot_dimension_numbers<[0], [0], [1], [1], [0, 1, 1, 1], [], []>, transpose_lhs_hint = false} : vector<128x128xf32>, vector<128x8192xf32>, vector<128x8192xf32> -> vector<128x8192xf32>
    %add3A = arith.addf %dot_general3A_9, %dot_general3A_14 : vector<128x8192xf32>
    %get3A_15 = arith.constant 0 : index
    %get3A_16 = arith.constant 0 : index
    %get3A_17 = vector.load %arg5[%get3A_15, %get3A_16] : memref<128x1xf32, #tpu.memory_space<vmem>>, vector<128x1xf32>
    %add3A_18 = vector.broadcast %get3A_17 : vector<128x1xf32> to vector<128x8192xf32>
    %add3A_19 = arith.addf %add3A, %add3A_18 : vector<128x8192xf32>
    %max3A = arith.constant 0.000000e+00 : f32
    %max3A_20 = vector.broadcast %max3A : f32 to vector<128x8192xf32>
    %max3A_21 = arith.maximumf %add3A_19, %max3A_20 : vector<128x8192xf32>
    %get3A_22 = arith.constant 0 : index
    %get3A_23 = arith.constant 0 : index
    %get3A_24 = vector.load %arg6[%get3A_22, %get3A_23] : memref<128x64xf32, #tpu.memory_space<vmem>>, vector<128x64xf32>
    %dot_general3A_25 = arith.constant dense<0.000000e+00> : vector<64x8192xf32>
    %dot_general3A_26 = tpu.matmul %get3A_24, %max3A_21, %dot_general3A_25 {dimension_numbers = #tpu.dot_dimension_numbers<[0], [0], [1], [1], [0, 1, 1, 1], [], []>, transpose_lhs_hint = false} : vector<128x64xf32>, vector<128x8192xf32>, vector<64x8192xf32> -> vector<64x8192xf32>
    %get3A_27 = arith.constant 0 : index
    %get3A_28 = arith.constant 0 : index
    %get3A_29 = vector.load %arg7[%get3A_27, %get3A_28] : memref<64x1xf32, #tpu.memory_space<vmem>>, vector<64x1xf32>
    %add3A_30 = vector.broadcast %get3A_29 : vector<64x1xf32> to vector<64x8192xf32>
    %add3A_31 = arith.addf %dot_general3A_26, %add3A_30 : vector<64x8192xf32>
    %max3A_32 = arith.constant 0.000000e+00 : f32
    %max3A_33 = vector.broadcast %max3A_32 : f32 to vector<64x8192xf32>
    %max3A_34 = arith.maximumf %add3A_31, %max3A_33 : vector<64x8192xf32>
    %get3A_35 = arith.constant 0 : index
    %get3A_36 = arith.constant 0 : index
    %get3A_37 = vector.load %arg8[%get3A_35, %get3A_36] : memref<64x32xf32, #tpu.memory_space<vmem>>, vector<64x32xf32>
    %dot_general3A_38 = arith.constant dense<0.000000e+00> : vector<32x8192xf32>
    %dot_general3A_39 = tpu.matmul %get3A_37, %max3A_34, %dot_general3A_38 {dimension_numbers = #tpu.dot_dimension_numbers<[0], [0], [1], [1], [0, 1, 1, 1], [], []>, transpose_lhs_hint = false} : vector<64x32xf32>, vector<64x8192xf32>, vector<32x8192xf32> -> vector<32x8192xf32>
    %get3A_40 = arith.constant 0 : index
    %get3A_41 = arith.constant 0 : index
    %get3A_42 = vector.load %arg9[%get3A_40, %get3A_41] : memref<32x1xf32, #tpu.memory_space<vmem>>, vector<32x1xf32>
    %add3A_43 = vector.broadcast %get3A_42 : vector<32x1xf32> to vector<32x8192xf32>
    %add3A_44 = arith.addf %dot_general3A_39, %add3A_43 : vector<32x8192xf32>
    %max3A_45 = arith.constant 0.000000e+00 : f32
    %max3A_46 = vector.broadcast %max3A_45 : f32 to vector<32x8192xf32>
    %max3A_47 = arith.maximumf %add3A_44, %max3A_46 : vector<32x8192xf32>
    %get3A_48 = arith.constant 0 : index
    %get3A_49 = arith.constant 0 : index
    %get3A_50 = vector.load %arg10[%get3A_48, %get3A_49] : memref<32x1xf32, #tpu.memory_space<vmem>>, vector<32x1xf32>
    %dot_general3A_51 = arith.constant dense<0.000000e+00> : vector<1x8192xf32>
    %dot_general3A_52 = tpu.matmul %get3A_50, %max3A_47, %dot_general3A_51 {dimension_numbers = #tpu.dot_dimension_numbers<[0], [0], [1], [1], [0, 1, 1, 1], [], []>, transpose_lhs_hint = false} : vector<32x1xf32>, vector<32x8192xf32>, vector<1x8192xf32> -> vector<1x8192xf32>
    %get3A_53 = arith.constant 0 : index
    %get3A_54 = arith.constant 0 : index
    %get3A_55 = vector.load %arg11[%get3A_53, %get3A_54] : memref<1x1xf32, #tpu.memory_space<vmem>>, vector<1x1xf32>
    %add3A_56 = vector.broadcast %get3A_55 : vector<1x1xf32> to vector<1x8192xf32>
    %add3A_57 = arith.addf %dot_general3A_52, %add3A_56 : vector<1x8192xf32>
    %swap3A = arith.constant 0 : index
    %swap3A_58 = arith.constant 0 : index
    %swap3A_59 = vector.load %arg12[%swap3A, %swap3A_58] : memref<1x8192xf32, #tpu.memory_space<vmem>>, vector<1x8192xf32>
    tpu.vector_store %arg12[%swap3A, %swap3A_58], %add3A_57 {strides = array<i32>} : memref<1x8192xf32, #tpu.memory_space<vmem>>, vector<1x8192xf32>,
    return
  }
  func.func @transform_0(%arg0: i32) -> (i32, i32) {
    %c0_i32 = arith.constant 0 : i32
    %c0_i32_0 = arith.constant 0 : i32
    return %arg0, %c0_i32 : i32, i32
  }
  func.func @transform_1(%arg0: i32) -> (i32, i32) {
    %c0_i32 = arith.constant 0 : i32
    %c0_i32_0 = arith.constant 0 : i32
    return %arg0, %c0_i32 : i32, i32
  }
  func.func @transform_2(%arg0: i32) -> (i32, i32) {
    %c0_i32 = arith.constant 0 : i32
    %c0_i32_0 = arith.constant 0 : i32
    %c0_i32_1 = arith.constant 0 : i32
    return %c0_i32, %c0_i32_0 : i32, i32
  }
  func.func @transform_3(%arg0: i32) -> (i32, i32) {
    %c0_i32 = arith.constant 0 : i32
    %c0_i32_0 = arith.constant 0 : i32
    %c0_i32_1 = arith.constant 0 : i32
    return %c0_i32, %c0_i32_0 : i32, i32
  }
  func.func @transform_4(%arg0: i32) -> (i32, i32) {
    %c0_i32 = arith.constant 0 : i32
    %c0_i32_0 = arith.constant 0 : i32
    %c0_i32_1 = arith.constant 0 : i32
    return %c0_i32, %c0_i32_0 : i32, i32
  }
  func.func @transform_5(%arg0: i32) -> (i32, i32) {
    %c0_i32 = arith.constant 0 : i32
    %c0_i32_0 = arith.constant 0 : i32
    %c0_i32_1 = arith.constant 0 : i32
    return %c0_i32, %c0_i32_0 : i32, i32
  }
  func.func @transform_6(%arg0: i32) -> (i32, i32) {
    %c0_i32 = arith.constant 0 : i32
    %c0_i32_0 = arith.constant 0 : i32
    %c0_i32_1 = arith.constant 0 : i32
    return %c0_i32, %c0_i32_0 : i32, i32
  }
  func.func @transform_7(%arg0: i32) -> (i32, i32) {
    %c0_i32 = arith.constant 0 : i32
    %c0_i32_0 = arith.constant 0 : i32
    %c0_i32_1 = arith.constant 0 : i32
    return %c0_i32, %c0_i32_0 : i32, i32
  }
  func.func @transform_8(%arg0: i32) -> (i32, i32) {
    %c0_i32 = arith.constant 0 : i32
    %c0_i32_0 = arith.constant 0 : i32
    %c0_i32_1 = arith.constant 0 : i32
    return %c0_i32, %c0_i32_0 : i32, i32
  }
  func.func @transform_9(%arg0: i32) -> (i32, i32) {
    %c0_i32 = arith.constant 0 : i32
    %c0_i32_0 = arith.constant 0 : i32
    %c0_i32_1 = arith.constant 0 : i32
    return %c0_i32, %c0_i32_0 : i32, i32
  }
  func.func @transform_10(%arg0: i32) -> (i32, i32) {
    %c0_i32 = arith.constant 0 : i32
    %c0_i32_0 = arith.constant 0 : i32
    %c0_i32_1 = arith.constant 0 : i32
    return %c0_i32, %c0_i32_0 : i32, i32
  }
  func.func @transform_11(%arg0: i32) -> (i32, i32) {
    %c0_i32 = arith.constant 0 : i32
    %c0_i32_0 = arith.constant 0 : i32
    return %c0_i32, %arg0 : i32, i32
  }
}

</mosaic_0001>

<sc_bundles>
// kernel: ncf_sc_gather.3.cloned.1.call-start
scs
__scs_entry_jumppad:
0x0: {  	(pc) =	sbr.rel $0x88, $3  }
0x1: {  	(tag) =	ssettag $0x0;
	lr =	simm.s32 $0x1  }
0x2: {  	[smem:$0x3F95] =	sst lr;
	_ =	strace $0xD0000000  }
0x3: {  	_ = 	snop  }
0x4: {  	_ = 	snop  }
0x5: {  	_ = 	snop  }
0x6: {  	_ = 	snop  }
0x7: {  	_ = 	snop  }
__scs_overlays_trampoline_lowered:
0x8: {  	[smem:$0x3FA4] =	sst s0  }
0x9: {  	[smem:$0x3FA5] =	sst s1  }
0xa: {  	[smem:$0x3FA6] =	sst s2  }
0xb: {  	[smem:$0x3FA7] =	sst s3  }
0xc: {  	[smem:$0x3FA8] =	sst s4  }
0xd: {  	[smem:$0x3FA9] =	sst s5  }
0xe: {  	[smem:$0x3FAA] =	sst s6  }
0xf: {  	[smem:$0x3FAB] =	sst s7  }
0x10: {  	[smem:$0x3FAC] =	sst s8  }
0x11: {  	[smem:$0x3FAD] =	sst s9;
	s0 =	simm.s32 @!p0 $0x0  }
0x12: {  	s1 =	sld [smem:$0x3F93];
	s0 =	simm.s32 @p0 $0x1  }
0x13: {  	[smem:$0x3FAE] =	sst s0;
	s0 =	simm.s32 @!p1 $0x0  }
0x14: {  	s2 =	sld [smem:$0x3F92];
	s0 =	simm.s32 @p1 $0x1  }
0x15: {  	[smem:$0x3FAF] =	sst s0;
	s0 =	simm.s32 @!p2 $0x0  }
0x16: {  	s3 =	sld [smem:$0x3FDB];
	s0 =	simm.s32 @p2 $0x1  }
0x17: {  	s4 =	simm.s32 $0x1BF5;
	[smem:$0x3FB1] =	sst s0  }
0x18: {  	s0 =	sld [smem:$0x3F94];
	_ =	swait.ge [sflag:s4], $0x0  }
0x19: {  	s7 =	sld [smem:$0x3F95]  }
0x1a: {  	s8 =	sadd.s32 $0xFFFFE003, lr  }
0x1b: {  	s9 =	sadd.s32 $0xFFFFFEF7, lr;
	s5 =	simm.s32 $0xFFFFFFFF;
	p2 =	slt.u32 s8, $0xFFFFF086  }
0x1c: {  	p1 =	slt.u32 s9, $0xF7A;
	s5 =	simm.s32 @!p2 $0x0  }
0x1d: {  	s5 =	simm.s32 @p1 $0x1;
	p0 =	seq.s32 s7, s2  }
0x1e: {  	s7 =	smul.u32 @!p0 $0xF7A, s2;
	p2 =	seq.s32 @!p0 s5, $0x0  }
0x1f: {  	s9 =	smul.u32 $0xF7A, s1;
	s8 =	simm.s32 @!p0 $0x1BF5;
	p2 =	por !p2, p0  }
0x20: {  	[sflag:s8] =	ssyncset.s32 @!p0 $0xFFFFF086;
	s6 =	sadd.s32 @!p0 s3, s7;
	s7 =	simm.s32 @!p0 $0x108  }
0x21: {  	s3 =	sadd.s32 s3, s9;
	s6 =	sadd.s32 @!p0 $0x88, s6;
	s7 =	simm.s32 @p2 $0x1082  }
0x22: {  	[simem:s7], [sflag:s8] =	dma.local @!p0 [hbm:s6], $0xF7A  }
0x23: {  	s9 =	sor.u32 $0xD0000000, s2;
	s6 =	simm.s32 $0x108;
	_ =	swait.ge @!p0 [sflag:s8], $0x0  }
0x24: {  	s3 =	sadd.s32 $0x88, s3;
	s6 =	simm.s32 @!p1 $0x1082;
	[sflag:s4] =	ssyncset.s32 $0xFFFFF086  }
0x25: {  	[simem:s6], [sflag:s4] =	dma.local [hbm:s3], $0xF7A  }
0x26: {  	[smem:$0x3F95] =	sst s1;
	(tag) =	ssettag s2;
	_ =	strace s9  }
0x27: {  	s1 =	sld [smem:$0x3FA5]  }
0x28: {  	s2 =	sld [smem:$0x3FA6]  }
0x29: {  	s4 =	sld [smem:$0x3FA8]  }
0x2a: {  	p0 =	seq.s32 s5, $0x0;
	s5 =	sld [smem:$0x3FA9]  }
0x2b: {  	s6 =	sld [smem:$0x3FAA]  }
0x2c: {  	s7 =	sld [smem:$0x3FAB]  }
0x2d: {  	s3 =	simm.s32 $0x108;
	s8 =	sld [smem:$0x3FAC]  }
0x2e: {  	s3 =	simm.s32 @!p0 $0x1082;
	s9 =	sld [smem:$0x3FAD]  }
0x2f: {  	lr =	sadd.s32 s0, s3;
	s0 =	sld [smem:$0x3FA4]  }
0x30: {  	s3 =	sld [smem:$0x3FA7]  }
0x31: {  	[smem:$0x3FB0] =	sst s10  }
0x32: {  	s10 =	sld [smem:$0x3FAE];
	_ =	sdelay $0x3  }
0x33: {  	p0 =	seq.s32 s10, $0x1;
	s10 =	sld [smem:$0x3FB0];
	_ =	sdelay $0x3  }
0x34: {  	[smem:$0x3FB0] =	sst s10  }
0x35: {  	s10 =	sld [smem:$0x3FAF];
	_ =	sdelay $0x3  }
0x36: {  	p1 =	seq.s32 s10, $0x1;
	s10 =	sld [smem:$0x3FB0];
	_ =	sdelay $0x3  }
0x37: {  	[smem:$0x3FB0] =	sst s10  }
0x38: {  	s10 =	sld [smem:$0x3FB1]  }
0x39: {  	_ = 	snop;
	(pc) =	sbr.ind lr, $3  }
0x3a: {  	_ = 	snop  }
0x3b: {  	_ = 	snop  }
0x3c: {  	p2 =	seq.s32 s10, $0x1;
	s10 =	sld [smem:$0x3FB0]  }
0x3d: {  	_ =	shalt  }
0x3e: {  	_ =	shalt  }
0x3f: {  	_ =	shalt  }
0x40: {  	_ =	shalt  }
0x41: {  	_ =	shalt  }
0x42: {  	_ =	shalt  }
0x43: {  	_ =	shalt  }
0x44: {  	_ =	shalt  }
0x45: {  	_ =	shalt  }
0x46: {  	_ =	shalt  }
0x47: {  	_ =	shalt  }
0x48: {  	_ =	shalt  }
0x49: {  	_ =	shalt  }
0x4a: {  	_ =	shalt  }
0x4b: {  	_ =	shalt  }
0x4c: {  	_ =	shalt  }
0x4d: {  	_ =	shalt  }
0x4e: {  	_ =	shalt  }
0x4f: {  	_ =	shalt  }
0x50: {  	_ =	shalt  }
0x51: {  	_ =	shalt  }
0x52: {  	_ =	shalt  }
0x53: {  	_ =	shalt  }
0x54: {  	_ =	shalt  }
0x55: {  	_ =	shalt  }
0x56: {  	_ =	shalt  }
0x57: {  	_ =	shalt  }
0x58: {  	_ =	shalt  }
0x59: {  	_ =	shalt  }
0x5a: {  	_ =	shalt  }
0x5b: {  	_ =	shalt  }
0x5c: {  	_ =	shalt  }
0x5d: {  	_ =	shalt  }
0x5e: {  	_ =	shalt  }
0x5f: {  	_ =	shalt  }
0x60: {  	_ =	shalt  }
0x61: {  	_ =	shalt  }
0x62: {  	_ =	shalt  }
0x63: {  	_ =	shalt  }
0x64: {  	_ =	shalt  }
0x65: {  	_ =	shalt  }
0x66: {  	_ =	shalt  }
0x67: {  	_ =	shalt  }
0x68: {  	_ =	shalt  }
0x69: {  	_ =	shalt  }
0x6a: {  	_ =	shalt  }
0x6b: {  	_ =	shalt  }
0x6c: {  	_ =	shalt  }
0x6d: {  	_ =	shalt  }
0x6e: {  	_ =	shalt  }
0x6f: {  	_ =	shalt  }
0x70: {  	_ =	shalt  }
0x71: {  	_ =	shalt  }
0x72: {  	_ =	shalt  }
0x73: {  	_ =	shalt  }
0x74: {  	_ =	shalt  }
0x75: {  	_ =	shalt  }
0x76: {  	_ =	shalt  }
0x77: {  	_ =	shalt  }
0x78: {  	_ =	shalt  }
0x79: {  	_ =	shalt  }
0x7a: {  	_ =	shalt  }
0x7b: {  	_ =	shalt  }
0x7c: {  	_ =	shalt  }
0x7d: {  	_ =	shalt  }
0x7e: {  	_ =	shalt  }
0x7f: {  	_ =	shalt  }
0x80: {  	_ =	shalt  }
0x81: {  	_ =	shalt  }
0x82: {  	_ =	shalt  }
0x83: {  	_ =	shalt  }
0x84: {  	_ =	shalt  }
0x85: {  	_ =	shalt  }
0x86: {  	_ =	shalt  }
0x87: {  	_ =	shalt  }
.Lfunc_end0:
.L_simem_size_0:
called_computation_lowered:
.L_overlay_start_0:
0x88: {  	s2 =	sld [smem:$0x3FD9]  }
0x89: {  	s3 =	sld [smem:$0x3FFE];
	_ =	sdelay $0x1  }
0x8a: {  	s1 =	srdreg.scid  }
0x8b: {  	s0 =	sand.u32 $0x1, s1  }
0x8c: {  	s17 =	sshll.u32 s0, $0xA;
	s2 =	sadd.s32 s3, s2  }
0x8d: {  	s2 =	sadd.s32 s2, s17  }
0x8e: {  	[smem:$0x3FBC] =	sst s2  }
0x8f: {  	_ = 	snop  }
0x90: {  	s2 =	sld [smem:$0x3FC9]  }
0x91: {  	s18 =	sld [smem:$0x3FC8]  }
0x92: {  	s4 =	sld [smem:$0x3FC7]  }
0x93: {  	s5 =	sld [smem:$0x3FC6];
	(tm) =	ssettm $0x1  }
0x94: {  	s6 =	sld [smem:$0x3FFB];
	_ =	sdelay $0x3  }
0x95: {  	_ =	strace s6  }
0x96: {  	s6 =	sld [smem:$0x3FFC];
	_ =	sdelay $0x3  }
0x97: {  	_ =	strace s6  }
0x98: {  	s6 =	sld [smem:$0x3FFD];
	_ =	sdelay $0x3  }
0x99: {  	_ =	strace s6  }
0x9a: {  	_ =	strace $0x8FFFFFFF  }
0x9b: {  	s19 =	sld [smem:$0x3FDB];
	_ =	sdelay $0x1  }
0x9c: {  	s7 =	simm.s32 $_scs_section_size  }
0x9d: {  	s8 =	simm.s32 $_size__tile_overlayer_lowered;
	s9 =	simm.s32 $_tile_overlayer_lowered  }
0x9e: {  	s22 =	simm.s32 $0x1BFF;
	s21 =	sshll.u32 s9, $0x1;
	s6 =	sadd.s32 s7, s19  }
0x9f: {  	s10 =	simm.s32 $0x0;
	s20 =	sshll.u32 s8, $0x1;
	s8 =	sadd.s32 s21, s6  }
0xa0: {  	[timem:s10], [sflag:s22] =	dma.local [hbm:s8], s20  }
0xa1: {  	_ =	swait.ge [sflag:s22], s20  }
0xa2: {  	s7 =	ssub.s32 $0x0, s20;
	[sflag:s22] =	ssyncset.done $0x0  }
0xa3: {  	[sflag:s22] =	ssyncadd.s32 s7;
	_ =	sdelay $0x1  }
0xa4: {  	s23 =	simm.s32 $0x1B8B  }
0xa5: {  	_ =	swait.ge [sflag:s23], $0x1  }
0xa6: {  	[sflag:s23] =	ssyncset.done $0x0  }
0xa7: {  	s25 =	simm.s32 $0x1B8E;
	s24 =	sld [smem:$0x3FFE];
	[sflag:s23] =	ssyncadd.s32 $0xFFFFFFFF  }
0xa8: {  	s26 =	simm.s32 $execute0_lowered;
	[smem:$0x3FD2] =	sst s25  }
0xa9: {  	s8 =	sshll.u32 s26, $0x1;
	_ =	strace $0x80000046;
	[dreg:$0x1] =	wrdreg $0xFFFFFFFF  }
0xaa: {  	s28 =	simm.s32 $_size_execute0_lowered;
	s6 =	sadd.s32 s6, s8;
	[dreg:$0x0] =	wrdreg $0x0  }
0xab: {  	s8 =	sshll.u32 s28, $0x1;
	[dreg:$0x2] =	wrdreg s6  }
0xac: {  	[dreg:$0x3] =	wrdreg s8  }
0xad: {  	[dreg:$0x4] =	wrdreg $0xC0  }
0xae: {  	_ =	task [dreg:s10], $0x5FFFF  }
0xaf: {  	[dreg:$0x1] =	wrdreg $0xFFFFFFFF  }
0xb0: {  	[dreg:$0x0] =	wrdreg $0x60  }
0xb1: {  	[dreg:$0x2] =	wrdreg s2  }
0xb2: {  	[dreg:$0x3] =	wrdreg s18  }
0xb3: {  	[dreg:$0x4] =	wrdreg s4  }
0xb4: {  	[dreg:$0x5] =	wrdreg s5  }
0xb5: {  	[dreg:$0x6] =	wrdreg s24  }
0xb6: {  	[dreg:$0x7] =	wrdreg $0x9  }
0xb7: {  	_ =	task.clear_ibuf [dreg:s10], $0x8FFFF;
	_ =	strace $0x90000046  }
0xb8: {  	s29 =	simm.s32 $0x9;
	_ =	strace $0x80000048  }
0xb9: {  	_ =	swait.ge [sflag:s29], $0x1  }
0xba: {  	[sflag:s29] =	ssyncadd.s32 $0xFFFFFFFF  }
0xbb: {  	_ =	strace $0x90000048  }
0xbc: {  	_ =	sfence  }
0xbd: {  	s30 =	sld [smem:$0x0];
	_ =	sdelay $0x2  }
0xbe: {  	s31 =	sshll.u32 s1, $0xD;
	s1 =	sshrl.u32 s1, $0x2  }
0xbf: {  	s3 =	sand.u32 $0x4000, s31;
	s1 =	sadd.s32 s1, s30  }
0xc0: {  	s0 =	sor.u32 s3, s0;
	s1 =	sshll.u32 s1, $0x11  }
0xc1: {  	s0 =	sor.u32 s1, s0  }
0xc2: {  	s0 =	sadd.s32 $0x8F2B, s0  }
0xc3: {  	[sflag:s0] =	ssyncadd.remote.s32 $0x1  }
0xc4: {  	_ =	sfence.sel $0xFFFF  }
0xc5: {  	[dreg:$0x0] =	wrdreg $0xFFFFFFFF;
	(pc) =	sbr.abs _section_cstart, $3  }
0xc6: {  	[dreg:$0x1] =	wrdreg $0xFFFFFFFF  }
0xc7: {  	_ =	task.clear_ibuf [dreg:s10], $0x2FFFF;
	_ =	strace $0x9FFFFFFF  }
0xc8: {  	(tm) =	ssettm $0x7FFFFFFF  }
0xc9: {  	_ =	shalt  }
tec
execute0_lowered:
.L_overlay_start_1:
0x0: {  	(tag) =	ssettag $0x1  }
0x1: {  	s5 =	rddreg [dreg:$0x0]  }
0x2: {  	s7 =	rddreg [dreg:$0x1]  }
0x3: {  	s2 =	rddreg [dreg:$0x2]  }
0x4: {  	s3 =	rddreg [dreg:$0x3]  }
0x5: {  	s17 =	rddreg [dreg:$0x4];
	s4 =	srdreg.scid  }
0x6: {  	s0 =	rddreg [dreg:$0x5];
	s1 =	stileid.u32;
	s25 =	sand.u32 $0x1, s4  }
0x7: {  	s4 =	simm.s32 $0x0;
	s6 =	sshll.u32 s1, $0x7;
	s8 =	sshll.u32 s25, $0x6  }
0x8: {  	[smem:$0x7FF] =	sst s4;
	s8 =	sor.u32 s8, s6  }
0x9: {  	_ =	strace $0x80000047;
	s6 =	simm.s32 $0x3;
	s5 =	sadd.s32 s5, s8  }
0xa: {  	[tilespmem:s4], [sflag:$0x3] =	stream.linear.gather [hbm4b:s5+s4], $0x200, $0x38;
	[tilespmem:$0x18400] =	vst v63  }
0xb: {  	_ =	swait.ge [sflag:s6], $0x200  }
0xc: {  	[sflag:s6] =	ssyncset.done $0x0  }
0xd: {  	s7 =	sadd.s32 s7, s8;
	s8 =	simm.s32 $0x200;
	[sflag:s6] =	ssyncadd.s32 $0xFFFFFE00  }
0xe: {  	[tilespmem:s8], [sflag:$0x3] =	stream.linear.gather [hbm4b:s7+s4], $0x200, $0x38;
	[tilespmem:$0x18400] =	vst v63  }
0xf: {  	_ =	swait.ge [sflag:s6], $0x200  }
0x10: {  	[sflag:s6] =	ssyncset.done $0x0  }
0x11: {  	s9 =	simm.s32 $0x80;
	s10 =	simm.s32 $0x400;
	[sflag:s6] =	ssyncadd.s32 $0xFFFFFE00  }
0x12: {  	[tilespmem:s10], [sflag:$0x1] =	stream.indirect.gather [hbm4b:s2+s9], $0x80, s4, s9, $0xb8;
	[tilespmem:$0x18400] =	vst v63  }
0x13: {  	s11 =	simm.s32 $0x4400  }
0x14: {  	[tilespmem:s11], [sflag:$0x1] =	stream.indirect.gather [hbm4b:s2+s9], $0x80, s9, s9, $0xb8;
	[tilespmem:$0x18400] =	vst v63  }
0x15: {  	s12 =	simm.s32 $0x100;
	s13 =	simm.s32 $0x8400  }
0x16: {  	[tilespmem:s13], [sflag:$0x1] =	stream.indirect.gather [hbm4b:s2+s9], $0x80, s12, s9, $0xb8;
	[tilespmem:$0x18400] =	vst v63  }
0x17: {  	s14 =	simm.s32 $0x180;
	s15 =	simm.s32 $0xC400;
	s16 =	simm.s32 $0x1  }
0x18: {  	[tilespmem:s15], [sflag:$0x1] =	stream.indirect.gather [hbm4b:s2+s9], $0x80, s14, s9, $0xb8;
	[tilespmem:$0x18400] =	vst v63  }
0x19: {  	_ =	swait.ge [sflag:s16], $0x4000  }
0x1a: {  	[sflag:s16] =	ssyncset.done $0x0  }
0x1b: {  	[sflag:s16] =	ssyncadd.s32 $0xFFFFC000  }
0x1c: {  	_ =	swait.ge [sflag:s16], $0x4000  }
0x1d: {  	[sflag:s16] =	ssyncset.done $0x0  }
0x1e: {  	[sflag:s16] =	ssyncadd.s32 $0xFFFFC000  }
0x1f: {  	_ =	swait.ge [sflag:s16], $0x4000  }
0x20: {  	[sflag:s16] =	ssyncset.done $0x0  }
0x21: {  	s18 =	sshll.u32 s1, $0xE;
	s19 =	sshll.u32 s25, $0xD;
	[sflag:s16] =	ssyncadd.s32 $0xFFFFC000  }
0x22: {  	s18 =	sor.u32 s19, s18;
	_ =	swait.ge [sflag:s16], $0x4000  }
0x23: {  	s26 =	sadd.s32 s18, s17;
	[sflag:s16] =	ssyncset.done $0x0  }
0x24: {  	s17 =	sadd.s32 $0x1C00, s26;
	[sflag:s16] =	ssyncadd.s32 $0xFFFFC000  }
0x25: {  	[hbm4b:s17+s4] =	stream.linear.scatter [tilespmem:s10], [sflag:$0x2], $0x10000, $0x38;
	[tilespmem:$0x18400] =	vst v63  }
0x26: {  	s18 =	simm.s32 $0x10400  }
0x27: {  	[tilespmem:s18], [sflag:$0x1] =	stream.indirect.gather [hbm4b:s3+s9], $0x80, s8, s9, $0xb8;
	[tilespmem:$0x18400] =	vst v63  }
0x28: {  	s20 =	simm.s32 $0x14400;
	s19 =	simm.s32 $0x280  }
0x29: {  	[tilespmem:s20], [sflag:$0x1] =	stream.indirect.gather [hbm4b:s3+s9], $0x80, s19, s9, $0xb8;
	[tilespmem:$0x18400] =	vst v63  }
0x2a: {  	_ =	swait.ge [sflag:s16], $0x4000  }
0x2b: {  	[sflag:s16] =	ssyncset.done $0x0  }
0x2c: {  	[sflag:s16] =	ssyncadd.s32 $0xFFFFC000  }
0x2d: {  	_ =	swait.ge [sflag:s16], $0x4000  }
0x2e: {  	[sflag:s16] =	ssyncset.done $0x0  }
0x2f: {  	s21 =	simm.s32 $0x2;
	s22 =	sadd.s32 $0x41C00, s26;
	[sflag:s16] =	ssyncadd.s32 $0xFFFFC000  }
0x30: {  	[hbm4b:s22+s4] =	stream.linear.scatter [tilespmem:s18], [sflag:$0x2], $0x8000, $0x38;
	[tilespmem:$0x18400] =	vst v63  }
0x31: {  	_ =	swait.ge [sflag:s21], $0x10000  }
0x32: {  	[sflag:s21] =	ssyncset.done $0x0  }
0x33: {  	s23 =	simm.s32 $0x300;
	[sflag:s21] =	ssyncadd.s32 $0xFFFF0000  }
0x34: {  	[tilespmem:s10], [sflag:$0x1] =	stream.indirect.gather [hbm4b:s3+s9], $0x80, s23, s9, $0xb8;
	[tilespmem:$0x18400] =	vst v63  }
0x35: {  	s24 =	simm.s32 $0x380  }
0x36: {  	[tilespmem:s11], [sflag:$0x1] =	stream.indirect.gather [hbm4b:s3+s9], $0x80, s24, s9, $0xb8;
	[tilespmem:$0x18400] =	vst v63  }
0x37: {  	_ =	swait.ge [sflag:s16], $0x4000  }
0x38: {  	s28 =	ssub.s32 $0x2, s25;
	[sflag:s16] =	ssyncset.done $0x0  }
0x39: {  	s31 =	sshrl.u32 s28, $0x1;
	[sflag:s16] =	ssyncadd.s32 $0xFFFFC000  }
0x3a: {  	s25 =	sadd.s32 $0x42C00, s26;
	s26 =	ssub.s32 s28, s31;
	_ =	swait.ge [sflag:s16], $0x4000  }
0x3b: {  	s26 =	smax.u32 s26, $0x1;
	[sflag:s16] =	ssyncset.done $0x0  }
0x3c: {  	p0 =	sne.s32 s26, $0x1;
	[sflag:s16] =	ssyncadd.s32 $0xFFFFC000  }
0x3d: {  	[hbm4b:s25+s4] =	stream.linear.scatter [tilespmem:s10], [sflag:$0x2], $0x8000, $0x38;
	[tilespmem:$0x18400] =	vst v63  }
.Ltmp0:
0x3e: {  	_ =	swait.ge [sflag:s21], $0x8000;
	(pc) =	sbr.rel @!p0 .LBB2_2-.Ltmp0, $4  }
0x3f: {  	[sflag:s21] =	ssyncset.done $0x0  }
0x40: {  	[sflag:s21] =	ssyncadd.s32 $0xFFFF8000  }
0x41: {  	_ =	swait.ge [sflag:s21], $0x8000  }
0x42: {  	s26 =	sadd.s32 $0xFFFFFFFF, s26;
	[sflag:s21] =	ssyncset.done $0x0  }
.LBB2_1:
0x43: {  	p0 =	sne.s32 s26, $0x1;
	s26 =	sadd.s32 $0xFFFFFFFF, s26;
	[sflag:s21] =	ssyncadd.s32 $0xFFFF8000  }
0x44: {  	[tilespmem:s4], [sflag:$0x3] =	stream.linear.gather [hbm4b:s5+s4], $0x200, $0x38;
	[tilespmem:$0x18400] =	vst v63  }
0x45: {  	_ =	swait.ge [sflag:s6], $0x200  }
0x46: {  	[sflag:s6] =	ssyncset.done $0x0  }
0x47: {  	[sflag:s6] =	ssyncadd.s32 $0xFFFFFE00  }
0x48: {  	[tilespmem:s8], [sflag:$0x3] =	stream.linear.gather [hbm4b:s7+s4], $0x200, $0x38;
	[tilespmem:$0x18400] =	vst v63  }
0x49: {  	_ =	swait.ge [sflag:s6], $0x200  }
0x4a: {  	[sflag:s6] =	ssyncset.done $0x0  }
0x4b: {  	[sflag:s6] =	ssyncadd.s32 $0xFFFFFE00  }
0x4c: {  	[tilespmem:s10], [sflag:$0x1] =	stream.indirect.gather [hbm4b:s2+s9], $0x80, s4, s9, $0xb8;
	[tilespmem:$0x18400] =	vst v63  }
0x4d: {  	_ = 	snop  }
0x4e: {  	[tilespmem:s11], [sflag:$0x1] =	stream.indirect.gather [hbm4b:s2+s9], $0x80, s9, s9, $0xb8;
	[tilespmem:$0x18400] =	vst v63  }
0x4f: {  	_ = 	snop  }
0x50: {  	[tilespmem:s13], [sflag:$0x1] =	stream.indirect.gather [hbm4b:s2+s9], $0x80, s12, s9, $0xb8;
	[tilespmem:$0x18400] =	vst v63  }
0x51: {  	_ = 	snop  }
0x52: {  	[tilespmem:s15], [sflag:$0x1] =	stream.indirect.gather [hbm4b:s2+s9], $0x80, s14, s9, $0xb8;
	[tilespmem:$0x18400] =	vst v63  }
0x53: {  	_ =	swait.ge [sflag:s16], $0x4000  }
0x54: {  	[sflag:s16] =	ssyncset.done $0x0  }
0x55: {  	[sflag:s16] =	ssyncadd.s32 $0xFFFFC000  }
0x56: {  	_ =	swait.ge [sflag:s16], $0x4000  }
0x57: {  	[sflag:s16] =	ssyncset.done $0x0  }
0x58: {  	[sflag:s16] =	ssyncadd.s32 $0xFFFFC000  }
0x59: {  	_ =	swait.ge [sflag:s16], $0x4000  }
0x5a: {  	[sflag:s16] =	ssyncset.done $0x0  }
0x5b: {  	[sflag:s16] =	ssyncadd.s32 $0xFFFFC000  }
0x5c: {  	_ =	swait.ge [sflag:s16], $0x4000  }
0x5d: {  	[sflag:s16] =	ssyncset.done $0x0  }
0x5e: {  	[sflag:s16] =	ssyncadd.s32 $0xFFFFC000  }
0x5f: {  	[hbm4b:s17+s4] =	stream.linear.scatter [tilespmem:s10], [sflag:$0x2], $0x10000, $0x38;
	[tilespmem:$0x18400] =	vst v63  }
0x60: {  	_ = 	snop  }
0x61: {  	[tilespmem:s18], [sflag:$0x1] =	stream.indirect.gather [hbm4b:s3+s9], $0x80, s8, s9, $0xb8;
	[tilespmem:$0x18400] =	vst v63  }
0x62: {  	_ = 	snop  }
0x63: {  	[tilespmem:s20], [sflag:$0x1] =	stream.indirect.gather [hbm4b:s3+s9], $0x80, s19, s9, $0xb8;
	[tilespmem:$0x18400] =	vst v63  }
0x64: {  	_ =	swait.ge [sflag:s16], $0x4000  }
0x65: {  	[sflag:s16] =	ssyncset.done $0x0  }
0x66: {  	[sflag:s16] =	ssyncadd.s32 $0xFFFFC000  }
0x67: {  	_ =	swait.ge [sflag:s16], $0x4000  }
0x68: {  	[sflag:s16] =	ssyncset.done $0x0  }
0x69: {  	[sflag:s16] =	ssyncadd.s32 $0xFFFFC000  }
0x6a: {  	[hbm4b:s22+s4] =	stream.linear.scatter [tilespmem:s18], [sflag:$0x2], $0x8000, $0x38;
	[tilespmem:$0x18400] =	vst v63  }
0x6b: {  	_ =	swait.ge [sflag:s21], $0x10000  }
0x6c: {  	[sflag:s21] =	ssyncset.done $0x0  }
0x6d: {  	[sflag:s21] =	ssyncadd.s32 $0xFFFF0000  }
0x6e: {  	[tilespmem:s10], [sflag:$0x1] =	stream.indirect.gather [hbm4b:s3+s9], $0x80, s23, s9, $0xb8;
	[tilespmem:$0x18400] =	vst v63  }
0x6f: {  	_ = 	snop  }
0x70: {  	[tilespmem:s11], [sflag:$0x1] =	stream.indirect.gather [hbm4b:s3+s9], $0x80, s24, s9, $0xb8;
	[tilespmem:$0x18400] =	vst v63  }
0x71: {  	_ =	swait.ge [sflag:s16], $0x4000  }
0x72: {  	[sflag:s16] =	ssyncset.done $0x0  }
0x73: {  	[sflag:s16] =	ssyncadd.s32 $0xFFFFC000  }
0x74: {  	_ =	swait.ge [sflag:s16], $0x4000  }
0x75: {  	[sflag:s16] =	ssyncset.done $0x0  }
0x76: {  	[sflag:s16] =	ssyncadd.s32 $0xFFFFC000  }
0x77: {  	[hbm4b:s25+s4] =	stream.linear.scatter [tilespmem:s10], [sflag:$0x2], $0x8000, $0x38;
	[tilespmem:$0x18400] =	vst v63  }
.Ltmp1:
0x78: {  	_ =	swait.ge [sflag:s21], $0x8000;
	(pc) =	sbr.rel @p0 .LBB2_1-.Ltmp1, $4  }
0x79: {  	[sflag:s21] =	ssyncset.done $0x0  }
0x7a: {  	[sflag:s21] =	ssyncadd.s32 $0xFFFF8000  }
0x7b: {  	_ =	swait.ge [sflag:s21], $0x8000  }
0x7c: {  	[sflag:s21] =	ssyncset.done $0x0  }
.LBB2_2:
0x7d: {  	[sflag:s21] =	ssyncadd.s32 $0xFFFF8000  }
0x7e: {  	_ =	sfence.sel $0x180000  }
0x7f: {  	[bflag:$0x0] =	sbarrier.arrive $0xFFFF  }
0x80: {  	p0 =	sne.s32 s1, $0x0;
	_ =	strace $0x90000047  }
0x81: {  	s0 =	sadd.s32 @!p0 $0x100000, s0;
	[bflag:$0x2] =	sbarrier.arrive $0xFFFF  }
0x82: {  	[sflag:s0] =	ssyncadd.tile.s32 @!p0 $0x1;
	_ =	shalt  }
.Lfunc_end2:
_tile_overlayer_lowered:
.L_overlay_start_2:
0x83: {  	(tag) =	ssettag $0x2  }
0x84: {  	s0 =	rddreg [dreg:$0x0];
	s2 =	stileid.u32  }
0x85: {  	s1 =	rddreg [dreg:$0x1];
	p0 =	sne.s32 s2, $0x0  }
0x86: {  	s3 =	rddreg [dreg:$0x2];
	[bflag:$0x3] =	sbarrier.arrive $0xFFFF;
	s2 =	simm.s32 @!p0 $0x1C03  }
0x87: {  	[timem:s3], [sflag:s2] =	dma.local @!p0 [hbm:s0], s1  }
0x88: {  	s0 =	simm.s32 @!p0 $0x3  }
0x89: {  	_ =	swait.ge @!p0 [sflag:s0], s1  }
0x8a: {  	s1 =	ssub.s32 @!p0 $0x0, s1;
	[sflag:s0] =	ssyncset.done @!p0 $0x0  }
0x8b: {  	[sflag:s0] =	ssyncadd.s32 @!p0 s1  }
0x8c: {  	[bflag:$0x3] =	sbarrier.arrive $0xFFFF  }
0x8d: {  	_ =	shalt  }

</sc_bundles>
